<compile_context>
chip_gen: v7x
topology: tpu7x:2x2x1
jax: 0.10.2.dev20260603
libtpu: 0.0.44.dev20260713+nightly
codegen_flags: <defaults>
</compile_context>

<pallas_src>
import functools

import jax
import jax.numpy as jnp
from jax import lax
from jax.experimental import pallas as pl
from jax.experimental.pallas import tpu as pltpu
from jax.experimental.pallas import tpu_sc as plsc

N_TABLES = 4
VOCAB = 100000
DIM = 64

NC = 2
NS = 16
NW = NC * NS
L = 16

D_PER_W = DIM * N_TABLES // NW
STAGE = 4096
N_STAGES = 4


def _grouped_gather_t(values, tab_t):
    b = values.shape[0]
    bt = b // N_TABLES
    mesh = plsc.VectorSubcoreMesh(core_axis_name="c", subcore_axis_name="s")

    @functools.partial(
        pl.kernel,
        mesh=mesh,
        compiler_params=pltpu.CompilerParams(needs_layout_passes=False),
        out_type=jax.ShapeDtypeStruct((DIM, b), jnp.float32),
        scratch_types=[
            pltpu.VMEM((bt,), jnp.int32),
            pltpu.VMEM((VOCAB,), jnp.float32),
            pltpu.VMEM((2, STAGE), jnp.float32),
            pltpu.SemaphoreType.DMA,
            pltpu.SemaphoreType.DMA,
        ],
    )
    def k(vals_hbm, tab_hbm, out_hbm, idx_v, row_v, stage_v, sem_in, sem_out):
        wid = lax.axis_index("s") * NC + lax.axis_index("c")
        t = wid // D_PER_W
        db = wid % D_PER_W
        r0 = t * DIM + db * D_PER_W
        pltpu.async_copy(tab_hbm.at[r0], row_v, sem_in)
        pltpu.sync_copy(vals_hbm.at[pl.ds(t * bt, bt)], idx_v)

        def do_dim(j, carry):
            d = db * D_PER_W + j
            r = t * DIM + d
            pltpu.make_async_copy(tab_hbm.at[r], row_v, sem_in).wait()
            for s in range(N_STAGES):
                if s >= 2:
                    pltpu.make_async_copy(
                        stage_v.at[s % 2],
                        out_hbm.at[d, pl.ds(t * bt, STAGE)],
                        sem_out,
                    ).wait()
                @plsc.parallel_loop(0, STAGE // L, unroll=16)
                def _(g):
                    iv = idx_v[pl.ds(s * STAGE + g * L, L)]
                    stage_v[s % 2, pl.ds(g * L, L)] = plsc.load_gather(
                        row_v, [iv])
                pltpu.async_copy(
                    stage_v.at[s % 2],
                    out_hbm.at[d, pl.ds(t * bt + s * STAGE, STAGE)],
                    sem_out,
                )
            @pl.when(j + 1 < D_PER_W)
            def _():
                pltpu.async_copy(tab_hbm.at[r + 1], row_v, sem_in)
            for _ in range(2):
                pltpu.make_async_copy(
                    stage_v.at[0],
                    out_hbm.at[d, pl.ds(t * bt, STAGE)],
                    sem_out,
                ).wait()
            return carry

        lax.fori_loop(0, D_PER_W, do_dim, 0)

    return k(values, tab_t)


def kernel(values, tables):
    tab_t = jnp.transpose(tables, (0, 2, 1)).reshape(N_TABLES * DIM, VOCAB)
    out_t = _grouped_gather_t(values, tab_t)
    return jnp.transpose(out_t)

# --- scband reference (transcript-rebuilt; emitter-appended) ---
"""Pipeline reference for scband-grouped-embedding-59596966199836 (READ-ONLY COPY).

The authoritative reference and input builder live on the scoring server;
editing this copy changes nothing except your own understanding.
"""

import jax, jax.numpy as jnp
import numpy as np

N_TABLES = 4
BATCH = 16384
VOCAB = 100000
DIM = 64


def setup_inputs(seed: int = 0) -> dict:
    key = jax.random.key(seed)
    k1, k2 = jax.random.split(key)
    # KeyedJaggedTensor flattened values: one feature per table, each with BATCH indices,
    # concatenated in key order (length_per_key = [BATCH] * N_TABLES).
    values = jax.random.randint(k1, (N_TABLES * BATCH,), 0, VOCAB, dtype=jnp.int32)
    # Grouped embedding tables (nn.Embedding weights), uniform init like torchrec.
    tables = jax.random.uniform(k2, (N_TABLES, VOCAB, DIM), dtype=jnp.float32,
                                minval=-jnp.sqrt(1.0 / VOCAB), maxval=jnp.sqrt(1.0 / VOCAB))
    return {"values": values, "tables": tables}


def reference(values, tables):
    # torch.split(features.values(), features.length_per_key())
    n_tables = tables.shape[0]
    indices_list = jnp.split(values, n_tables)
    # For each embedding table, look up its feature's indices (nn.Embedding == gather rows)
    unpooled = []
    for i in range(n_tables):
        unpooled.append(jnp.take(tables[i], indices_list[i], axis=0))
    # torch.cat(unpooled_embeddings, dim=0)
    return jnp.concatenate(unpooled, axis=0)

if __name__ == "__main__":
    import jax
    _d = setup_inputs()
    print(jax.jit(kernel)(*tuple(_d.values())))

</pallas_src>

<mosaic_0001>
#map = affine_map<(d0, d1) -> (0)>
#map1 = affine_map<(d0, d1) -> (0, 0)>
module attributes {stable_mosaic.version = 14 : i64} {
  func.func @k(%arg0: i32, %arg1: i32, %arg2: memref<65536xi32, #tpu.memory_space<hbm>>, %arg3: memref<256x100000xf32, #tpu.memory_space<hbm>>, %arg4: memref<64x65536xf32, #tpu.memory_space<hbm>>, %arg5: memref<16384xi32, #tpu.memory_space<vmem>>, %arg6: memref<100000xf32, #tpu.memory_space<vmem>>, %arg7: memref<2x4096xf32, #tpu.memory_space<vmem>>, %arg8: memref<!tpu.dma_semaphore, #tpu.memory_space<semaphore_mem>>, %arg9: memref<!tpu.dma_semaphore, #tpu.memory_space<semaphore_mem>>) attributes {dimension_semantics = [#tpu.dimension_semantics<core_parallel>, #tpu.dimension_semantics<subcore_parallel>], iteration_bounds = array<i64: 2, 16>, scalar_prefetch = 0 : i64, scratch_operands = 5 : i64, tpu.core_type = #tpu.core_type<sc_vector_subcore>, window_params = [{transform_indices = #map}, {transform_indices = #map1}, {transform_indices = #map1}]} {
    %mul3A = arith.constant 2 : i32
    %mul3A_0 = arith.muli %arg1, %mul3A : i32
    %add3A = arith.addi %mul3A_0, %arg0 : i32
    %jit3A = arith.constant 8 : i32
    %div3A = arith.divsi %add3A, %jit3A : i32
    %sign3A = arith.constant 0 : i32
    %sign3A_1 = arith.cmpi sgt, %add3A, %sign3A : i32
    %sign3A_2 = arith.extui %sign3A_1 : i1 to i32
    %sign3A_3 = arith.constant 0 : i32
    %sign3A_4 = arith.cmpi slt, %add3A, %sign3A_3 : i32
    %sign3A_5 = arith.extui %sign3A_4 : i1 to i32
    %sign3A_6 = arith.subi %sign3A_2, %sign3A_5 : i32
    %sign3A_7 = arith.constant 0 : i32
    %sign3A_8 = arith.cmpi sgt, %jit3A, %sign3A_7 : i32
    %sign3A_9 = arith.extui %sign3A_8 : i1 to i32
    %sign3A_10 = arith.constant 0 : i32
    %sign3A_11 = arith.cmpi slt, %jit3A, %sign3A_10 : i32
    %sign3A_12 = arith.extui %sign3A_11 : i1 to i32
    %sign3A_13 = arith.subi %sign3A_9, %sign3A_12 : i32
    %ne3A = arith.cmpi ne, %sign3A_6, %sign3A_13 : i32
    %rem3A = arith.remsi %add3A, %jit3A : i32
    %ne3A_14 = arith.constant 0 : i32
    %ne3A_15 = arith.cmpi ne, %rem3A, %ne3A_14 : i32
    %and3A = arith.andi %ne3A, %ne3A_15 : i1
    %sub3A = arith.constant 1 : i32
    %sub3A_16 = arith.subi %div3A, %sub3A : i32
    %select_n3A = arith.select %and3A, %sub3A_16, %div3A : i32
    %jit3A_17 = arith.constant 8 : i32
    %eq3A = arith.constant 0 : i32
    %eq3A_18 = arith.cmpi eq, %jit3A_17, %eq3A : i32
    %jit3A_19 = arith.constant 1 : i32
    %select_n3A_20 = arith.select %eq3A_18, %jit3A_19, %jit3A_17 : i32
    %rem3A_21 = arith.remsi %add3A, %select_n3A_20 : i32
    %ne3A_22 = arith.constant 0 : i32
    %ne3A_23 = arith.cmpi ne, %rem3A_21, %ne3A_22 : i32
    %lt3A = arith.constant 0 : i32
    %lt3A_24 = arith.cmpi slt, %rem3A_21, %lt3A : i32
    %lt3A_25 = arith.constant 0 : i32
    %lt3A_26 = arith.cmpi slt, %select_n3A_20, %lt3A_25 : i32
    %ne3A_27 = arith.xori %lt3A_24, %lt3A_26 : i1
    %and3A_28 = arith.andi %ne3A_27, %ne3A_23 : i1
    %add3A_29 = arith.addi %rem3A_21, %select_n3A_20 : i32
    %select_n3A_30 = arith.select %and3A_28, %add3A_29, %rem3A_21 : i32
    %mul3A_31 = arith.constant 64 : i32
    %mul3A_32 = arith.muli %select_n3A, %mul3A_31 : i32
    %mul3A_33 = arith.constant 8 : i32
    %mul3A_34 = arith.muli %select_n3A_30, %mul3A_33 : i32
    %add3A_35 = arith.addi %mul3A_32, %mul3A_34 : i32
    %dma_start3A = arith.constant 0 : i32
    %dma_start3A_36 = tpu.memref_slice %arg3[%add3A_35, %dma_start3A] : memref<256x100000xf32, #tpu.memory_space<hbm>> -> memref<1x100000xf32, #tpu.memory_space<hbm>>
    %dma_start3A_37 = tpu.memref_squeeze %dma_start3A_36 : memref<1x100000xf32, #tpu.memory_space<hbm>> -> memref<100000xf32, #tpu.memory_space<hbm>>
    %dma_start3A_38 = arith.constant 0 : i32
    %dma_start3A_39 = tpu.memref_slice %arg3[%add3A_35, %dma_start3A_38] : memref<256x100000xf32, #tpu.memory_space<hbm>> -> memref<1x100000xf32, #tpu.memory_space<hbm>>
    %dma_start3A_40 = tpu.memref_squeeze %dma_start3A_39 : memref<1x100000xf32, #tpu.memory_space<hbm>> -> memref<100000xf32, #tpu.memory_space<hbm>>
    tpu.enqueue_dma source(%dma_start3A_40 : memref<100000xf32, #tpu.memory_space<hbm>>) target(%arg6 : memref<100000xf32, #tpu.memory_space<vmem>>) target_semaphore(%arg8 : memref<!tpu.dma_semaphore, #tpu.memory_space<semaphore_mem>>)
    %mul3A_41 = arith.constant 16384 : i32
    %mul3A_42 = arith.muli %select_n3A, %mul3A_41 : i32
    "tpu.region"() ({
      %run_scoped3A = tpu.sem_alloc : memref<!tpu.dma_semaphore, #tpu.memory_space<semaphore_mem>>
      %dma_start3A_48 = tpu.memref_slice %arg2[%mul3A_42] : memref<65536xi32, #tpu.memory_space<hbm>> -> memref<16384xi32, #tpu.memory_space<hbm>>
      %dma_start3A_49 = tpu.memref_slice %arg2[%mul3A_42] : memref<65536xi32, #tpu.memory_space<hbm>> -> memref<16384xi32, #tpu.memory_space<hbm>>
      tpu.enqueue_dma source(%dma_start3A_49 : memref<16384xi32, #tpu.memory_space<hbm>>) target(%arg5 : memref<16384xi32, #tpu.memory_space<vmem>>) target_semaphore(%run_scoped3A : memref<!tpu.dma_semaphore, #tpu.memory_space<semaphore_mem>>)
      %dma_wait3A = tpu.memref_slice %arg2[%mul3A_42] : memref<65536xi32, #tpu.memory_space<hbm>> -> memref<16384xi32, #tpu.memory_space<hbm>>
      %dma_wait3A_50 = tpu.memref_slice %arg2[%mul3A_42] : memref<65536xi32, #tpu.memory_space<hbm>> -> memref<16384xi32, #tpu.memory_space<hbm>>
      tpu.wait_dma2 semaphore(%run_scoped3A : memref<!tpu.dma_semaphore, #tpu.memory_space<semaphore_mem>>) src(%dma_wait3A_50 : memref<16384xi32, #tpu.memory_space<hbm>>) dst(%arg5 : memref<16384xi32, #tpu.memory_space<vmem>>)
      tpu.yield
    }) : () -> ()
    %scan3A = arith.constant 0 : i32
    %scan3A_43 = arith.constant 0 : i32
    %scan3A_44 = arith.constant 8 : i32
    %scan3A_45 = arith.addi %scan3A_43, %scan3A_44 : i32
    %scan3A_46 = arith.constant 1 : i32
    scf.for %scan3A_48 = %scan3A_43 to %scan3A_45 step %scan3A_46  : i32 {
      %mul3A_49 = arith.constant 8 : i32
      %mul3A_50 = arith.muli %select_n3A_30, %mul3A_49 : i32
      %add3A_51 = arith.addi %mul3A_50, %scan3A_48 : i32
      %mul3A_52 = arith.constant 64 : i32
      %mul3A_53 = arith.muli %select_n3A, %mul3A_52 : i32
      %add3A_54 = arith.addi %mul3A_53, %add3A_51 : i32
      %dma_wait3A = arith.constant 0 : i32
      %dma_wait3A_55 = tpu.memref_slice %arg3[%add3A_54, %dma_wait3A] : memref<256x100000xf32, #tpu.memory_space<hbm>> -> memref<1x100000xf32, #tpu.memory_space<hbm>>
      %dma_wait3A_56 = tpu.memref_squeeze %dma_wait3A_55 : memref<1x100000xf32, #tpu.memory_space<hbm>> -> memref<100000xf32, #tpu.memory_space<hbm>>
      %dma_wait3A_57 = arith.constant 0 : i32
      %dma_wait3A_58 = tpu.memref_slice %arg3[%add3A_54, %dma_wait3A_57] : memref<256x100000xf32, #tpu.memory_space<hbm>> -> memref<1x100000xf32, #tpu.memory_space<hbm>>
      %dma_wait3A_59 = tpu.memref_squeeze %dma_wait3A_58 : memref<1x100000xf32, #tpu.memory_space<hbm>> -> memref<100000xf32, #tpu.memory_space<hbm>>
      tpu.wait_dma2 semaphore(%arg8 : memref<!tpu.dma_semaphore, #tpu.memory_space<semaphore_mem>>) src(%dma_wait3A_59 : memref<100000xf32, #tpu.memory_space<hbm>>) dst(%arg6 : memref<100000xf32, #tpu.memory_space<vmem>>)
      %parallel_loop3A = arith.constant 0 : i32
      %parallel_loop3A_60 = arith.constant 256 : i32
      %parallel_loop3A_61 = arith.constant 1 : i32
      scf.for %parallel_loop3A_188 = %parallel_loop3A to %parallel_loop3A_60 step %parallel_loop3A_61  : i32 {
        %parallel_loop3A_189 = arith.constant 16 : i32
        %parallel_loop3A_190 = arith.muli %parallel_loop3A_188, %parallel_loop3A_189 : i32
        %parallel_loop3A_191 = arith.constant 0 : i32
        %parallel_loop3A_192 = arith.addi %parallel_loop3A_191, %parallel_loop3A_190 : i32
        %parallel_loop3A_193 = arith.index_cast %parallel_loop3A_192 : i32 to index
        %parallel_loop3A_194 = tpu.vector_load %arg5[%parallel_loop3A_193] {strides = array<i32>} : memref<16384xi32, #tpu.memory_space<vmem>>, vector<16xi32>,
        %parallel_loop3A_195 = tpu.vector_load_idx %arg6[%parallel_loop3A_194] : memref<100000xf32, #tpu.memory_space<vmem>>[vector<16xi32>], vector<16xf32>,
        %parallel_loop3A_196 = arith.constant 16 : i32
        %parallel_loop3A_197 = arith.muli %parallel_loop3A_188, %parallel_loop3A_196 : i32
        %parallel_loop3A_198 = arith.constant 0 : i32
        %parallel_loop3A_199 = arith.index_cast %parallel_loop3A_198 : i32 to index
        %parallel_loop3A_200 = arith.index_cast %parallel_loop3A_197 : i32 to index
        %parallel_loop3A_201 = tpu.vector_load %arg7[%parallel_loop3A_199, %parallel_loop3A_200] {strides = array<i32>} : memref<2x4096xf32, #tpu.memory_space<vmem>>, vector<16xf32>,
        tpu.vector_store %arg7[%parallel_loop3A_199, %parallel_loop3A_200], %parallel_loop3A_195 {strides = array<i32>} : memref<2x4096xf32, #tpu.memory_space<vmem>>, vector<16xf32>,
      } {sc.loop_unroll_factor = 16 : i64, sc.parallel_access}
      %mul3A_62 = arith.constant 16384 : i32
      %mul3A_63 = arith.muli %select_n3A, %mul3A_62 : i32
      %add3A_64 = arith.constant 0 : i32
      %add3A_65 = arith.addi %mul3A_63, %add3A_64 : i32
      %dma_start3A_66 = arith.constant 0 : i32
      %dma_start3A_67 = arith.constant 0 : i32
      %dma_start3A_68 = tpu.memref_slice %arg7[%dma_start3A_66, %dma_start3A_67] : memref<2x4096xf32, #tpu.memory_space<vmem>> -> memref<1x4096xf32, #tpu.memory_space<vmem>>
      %dma_start3A_69 = tpu.memref_squeeze %dma_start3A_68 : memref<1x4096xf32, #tpu.memory_space<vmem>> -> memref<4096xf32, #tpu.memory_space<vmem>>
      %dma_start3A_70 = tpu.memref_slice %arg4[%add3A_51, %add3A_65] : memref<64x65536xf32, #tpu.memory_space<hbm>> -> memref<1x4096xf32, #tpu.memory_space<hbm>>
      %dma_start3A_71 = tpu.memref_squeeze %dma_start3A_70 : memref<1x4096xf32, #tpu.memory_space<hbm>> -> memref<4096xf32, #tpu.memory_space<hbm>>
      %dma_start3A_72 = tpu.memref_slice %arg4[%add3A_51, %add3A_65] : memref<64x65536xf32, #tpu.memory_space<hbm>> -> memref<1x4096xf32, #tpu.memory_space<hbm>>
      %dma_start3A_73 = tpu.memref_squeeze %dma_start3A_72 : memref<1x4096xf32, #tpu.memory_space<hbm>> -> memref<4096xf32, #tpu.memory_space<hbm>>
      %dma_start3A_74 = arith.constant 0 : i32
      %dma_start3A_75 = tpu.memref_slice %arg7[%dma_start3A_66, %dma_start3A_74] : memref<2x4096xf32, #tpu.memory_space<vmem>> -> memref<1x4096xf32, #tpu.memory_space<vmem>>
      %dma_start3A_76 = tpu.memref_squeeze %dma_start3A_75 : memref<1x4096xf32, #tpu.memory_space<vmem>> -> memref<4096xf32, #tpu.memory_space<vmem>>
      tpu.enqueue_dma source(%dma_start3A_76 : memref<4096xf32, #tpu.memory_space<vmem>>) target(%dma_start3A_73 : memref<4096xf32, #tpu.memory_space<hbm>>) target_semaphore(%arg9 : memref<!tpu.dma_semaphore, #tpu.memory_space<semaphore_mem>>)
      %parallel_loop3A_77 = arith.constant 0 : i32
      %parallel_loop3A_78 = arith.constant 256 : i32
      %parallel_loop3A_79 = arith.constant 1 : i32
      scf.for %parallel_loop3A_188 = %parallel_loop3A_77 to %parallel_loop3A_78 step %parallel_loop3A_79  : i32 {
        %parallel_loop3A_189 = arith.constant 16 : i32
        %parallel_loop3A_190 = arith.muli %parallel_loop3A_188, %parallel_loop3A_189 : i32
        %parallel_loop3A_191 = arith.constant 4096 : i32
        %parallel_loop3A_192 = arith.addi %parallel_loop3A_191, %parallel_loop3A_190 : i32
        %parallel_loop3A_193 = arith.index_cast %parallel_loop3A_192 : i32 to index
        %parallel_loop3A_194 = tpu.vector_load %arg5[%parallel_loop3A_193] {strides = array<i32>} : memref<16384xi32, #tpu.memory_space<vmem>>, vector<16xi32>,
        %parallel_loop3A_195 = tpu.vector_load_idx %arg6[%parallel_loop3A_194] : memref<100000xf32, #tpu.memory_space<vmem>>[vector<16xi32>], vector<16xf32>,
        %parallel_loop3A_196 = arith.constant 16 : i32
        %parallel_loop3A_197 = arith.muli %parallel_loop3A_188, %parallel_loop3A_196 : i32
        %parallel_loop3A_198 = arith.constant 1 : i32
        %parallel_loop3A_199 = arith.index_cast %parallel_loop3A_198 : i32 to index
        %parallel_loop3A_200 = arith.index_cast %parallel_loop3A_197 : i32 to index
        %parallel_loop3A_201 = tpu.vector_load %arg7[%parallel_loop3A_199, %parallel_loop3A_200] {strides = array<i32>} : memref<2x4096xf32, #tpu.memory_space<vmem>>, vector<16xf32>,
        tpu.vector_store %arg7[%parallel_loop3A_199, %parallel_loop3A_200], %parallel_loop3A_195 {strides = array<i32>} : memref<2x4096xf32, #tpu.memory_space<vmem>>, vector<16xf32>,
      } {sc.loop_unroll_factor = 16 : i64, sc.parallel_access}
      %mul3A_80 = arith.constant 16384 : i32
      %mul3A_81 = arith.muli %select_n3A, %mul3A_80 : i32
      %add3A_82 = arith.constant 4096 : i32
      %add3A_83 = arith.addi %mul3A_81, %add3A_82 : i32
      %dma_start3A_84 = arith.constant 1 : i32
      %dma_start3A_85 = arith.constant 0 : i32
      %dma_start3A_86 = tpu.memref_slice %arg7[%dma_start3A_84, %dma_start3A_85] : memref<2x4096xf32, #tpu.memory_space<vmem>> -> memref<1x4096xf32, #tpu.memory_space<vmem>>
      %dma_start3A_87 = tpu.memref_squeeze %dma_start3A_86 : memref<1x4096xf32, #tpu.memory_space<vmem>> -> memref<4096xf32, #tpu.memory_space<vmem>>
      %dma_start3A_88 = tpu.memref_slice %arg4[%add3A_51, %add3A_83] : memref<64x65536xf32, #tpu.memory_space<hbm>> -> memref<1x4096xf32, #tpu.memory_space<hbm>>
      %dma_start3A_89 = tpu.memref_squeeze %dma_start3A_88 : memref<1x4096xf32, #tpu.memory_space<hbm>> -> memref<4096xf32, #tpu.memory_space<hbm>>
      %dma_start3A_90 = tpu.memref_slice %arg4[%add3A_51, %add3A_83] : memref<64x65536xf32, #tpu.memory_space<hbm>> -> memref<1x4096xf32, #tpu.memory_space<hbm>>
      %dma_start3A_91 = tpu.memref_squeeze %dma_start3A_90 : memref<1x4096xf32, #tpu.memory_space<hbm>> -> memref<4096xf32, #tpu.memory_space<hbm>>
      %dma_start3A_92 = arith.constant 0 : i32
      %dma_start3A_93 = tpu.memref_slice %arg7[%dma_start3A_84, %dma_start3A_92] : memref<2x4096xf32, #tpu.memory_space<vmem>> -> memref<1x4096xf32, #tpu.memory_space<vmem>>
      %dma_start3A_94 = tpu.memref_squeeze %dma_start3A_93 : memref<1x4096xf32, #tpu.memory_space<vmem>> -> memref<4096xf32, #tpu.memory_space<vmem>>
      tpu.enqueue_dma source(%dma_start3A_94 : memref<4096xf32, #tpu.memory_space<vmem>>) target(%dma_start3A_91 : memref<4096xf32, #tpu.memory_space<hbm>>) target_semaphore(%arg9 : memref<!tpu.dma_semaphore, #tpu.memory_space<semaphore_mem>>)
      %mul3A_95 = arith.constant 16384 : i32
      %mul3A_96 = arith.muli %select_n3A, %mul3A_95 : i32
      %dma_wait3A_97 = arith.constant 0 : i32
      %dma_wait3A_98 = arith.constant 0 : i32
      %dma_wait3A_99 = tpu.memref_slice %arg7[%dma_wait3A_97, %dma_wait3A_98] : memref<2x4096xf32, #tpu.memory_space<vmem>> -> memref<1x4096xf32, #tpu.memory_space<vmem>>
      %dma_wait3A_100 = tpu.memref_squeeze %dma_wait3A_99 : memref<1x4096xf32, #tpu.memory_space<vmem>> -> memref<4096xf32, #tpu.memory_space<vmem>>
      %dma_wait3A_101 = tpu.memref_slice %arg4[%add3A_51, %mul3A_96] : memref<64x65536xf32, #tpu.memory_space<hbm>> -> memref<1x4096xf32, #tpu.memory_space<hbm>>
      %dma_wait3A_102 = tpu.memref_squeeze %dma_wait3A_101 : memref<1x4096xf32, #tpu.memory_space<hbm>> -> memref<4096xf32, #tpu.memory_space<hbm>>
      %dma_wait3A_103 = tpu.memref_slice %arg4[%add3A_51, %mul3A_96] : memref<64x65536xf32, #tpu.memory_space<hbm>> -> memref<1x4096xf32, #tpu.memory_space<hbm>>
      %dma_wait3A_104 = tpu.memref_squeeze %dma_wait3A_103 : memref<1x4096xf32, #tpu.memory_space<hbm>> -> memref<4096xf32, #tpu.memory_space<hbm>>
      %dma_wait3A_105 = arith.constant 0 : i32
      %dma_wait3A_106 = tpu.memref_slice %arg7[%dma_wait3A_97, %dma_wait3A_105] : memref<2x4096xf32, #tpu.memory_space<vmem>> -> memref<1x4096xf32, #tpu.memory_space<vmem>>
      %dma_wait3A_107 = tpu.memref_squeeze %dma_wait3A_106 : memref<1x4096xf32, #tpu.memory_space<vmem>> -> memref<4096xf32, #tpu.memory_space<vmem>>
      tpu.wait_dma2 semaphore(%arg9 : memref<!tpu.dma_semaphore, #tpu.memory_space<semaphore_mem>>) src(%dma_wait3A_107 : memref<4096xf32, #tpu.memory_space<vmem>>) dst(%dma_wait3A_104 : memref<4096xf32, #tpu.memory_space<hbm>>)
      %parallel_loop3A_108 = arith.constant 0 : i32
      %parallel_loop3A_109 = arith.constant 256 : i32
      %parallel_loop3A_110 = arith.constant 1 : i32
      scf.for %parallel_loop3A_188 = %parallel_loop3A_108 to %parallel_loop3A_109 step %parallel_loop3A_110  : i32 {
        %parallel_loop3A_189 = arith.constant 16 : i32
        %parallel_loop3A_190 = arith.muli %parallel_loop3A_188, %parallel_loop3A_189 : i32
        %parallel_loop3A_191 = arith.constant 8192 : i32
        %parallel_loop3A_192 = arith.addi %parallel_loop3A_191, %parallel_loop3A_190 : i32
        %parallel_loop3A_193 = arith.index_cast %parallel_loop3A_192 : i32 to index
        %parallel_loop3A_194 = tpu.vector_load %arg5[%parallel_loop3A_193] {strides = array<i32>} : memref<16384xi32, #tpu.memory_space<vmem>>, vector<16xi32>,
        %parallel_loop3A_195 = tpu.vector_load_idx %arg6[%parallel_loop3A_194] : memref<100000xf32, #tpu.memory_space<vmem>>[vector<16xi32>], vector<16xf32>,
        %parallel_loop3A_196 = arith.constant 16 : i32
        %parallel_loop3A_197 = arith.muli %parallel_loop3A_188, %parallel_loop3A_196 : i32
        %parallel_loop3A_198 = arith.constant 0 : i32
        %parallel_loop3A_199 = arith.index_cast %parallel_loop3A_198 : i32 to index
        %parallel_loop3A_200 = arith.index_cast %parallel_loop3A_197 : i32 to index
        %parallel_loop3A_201 = tpu.vector_load %arg7[%parallel_loop3A_199, %parallel_loop3A_200] {strides = array<i32>} : memref<2x4096xf32, #tpu.memory_space<vmem>>, vector<16xf32>,
        tpu.vector_store %arg7[%parallel_loop3A_199, %parallel_loop3A_200], %parallel_loop3A_195 {strides = array<i32>} : memref<2x4096xf32, #tpu.memory_space<vmem>>, vector<16xf32>,
      } {sc.loop_unroll_factor = 16 : i64, sc.parallel_access}
      %mul3A_111 = arith.constant 16384 : i32
      %mul3A_112 = arith.muli %select_n3A, %mul3A_111 : i32
      %add3A_113 = arith.constant 8192 : i32
      %add3A_114 = arith.addi %mul3A_112, %add3A_113 : i32
      %dma_start3A_115 = arith.constant 0 : i32
      %dma_start3A_116 = arith.constant 0 : i32
      %dma_start3A_117 = tpu.memref_slice %arg7[%dma_start3A_115, %dma_start3A_116] : memref<2x4096xf32, #tpu.memory_space<vmem>> -> memref<1x4096xf32, #tpu.memory_space<vmem>>
      %dma_start3A_118 = tpu.memref_squeeze %dma_start3A_117 : memref<1x4096xf32, #tpu.memory_space<vmem>> -> memref<4096xf32, #tpu.memory_space<vmem>>
      %dma_start3A_119 = tpu.memref_slice %arg4[%add3A_51, %add3A_114] : memref<64x65536xf32, #tpu.memory_space<hbm>> -> memref<1x4096xf32, #tpu.memory_space<hbm>>
      %dma_start3A_120 = tpu.memref_squeeze %dma_start3A_119 : memref<1x4096xf32, #tpu.memory_space<hbm>> -> memref<4096xf32, #tpu.memory_space<hbm>>
      %dma_start3A_121 = tpu.memref_slice %arg4[%add3A_51, %add3A_114] : memref<64x65536xf32, #tpu.memory_space<hbm>> -> memref<1x4096xf32, #tpu.memory_space<hbm>>
      %dma_start3A_122 = tpu.memref_squeeze %dma_start3A_121 : memref<1x4096xf32, #tpu.memory_space<hbm>> -> memref<4096xf32, #tpu.memory_space<hbm>>
      %dma_start3A_123 = arith.constant 0 : i32
      %dma_start3A_124 = tpu.memref_slice %arg7[%dma_start3A_115, %dma_start3A_123] : memref<2x4096xf32, #tpu.memory_space<vmem>> -> memref<1x4096xf32, #tpu.memory_space<vmem>>
      %dma_start3A_125 = tpu.memref_squeeze %dma_start3A_124 : memref<1x4096xf32, #tpu.memory_space<vmem>> -> memref<4096xf32, #tpu.memory_space<vmem>>
      tpu.enqueue_dma source(%dma_start3A_125 : memref<4096xf32, #tpu.memory_space<vmem>>) target(%dma_start3A_122 : memref<4096xf32, #tpu.memory_space<hbm>>) target_semaphore(%arg9 : memref<!tpu.dma_semaphore, #tpu.memory_space<semaphore_mem>>)
      %mul3A_126 = arith.constant 16384 : i32
      %mul3A_127 = arith.muli %select_n3A, %mul3A_126 : i32
      %dma_wait3A_128 = arith.constant 1 : i32
      %dma_wait3A_129 = arith.constant 0 : i32
      %dma_wait3A_130 = tpu.memref_slice %arg7[%dma_wait3A_128, %dma_wait3A_129] : memref<2x4096xf32, #tpu.memory_space<vmem>> -> memref<1x4096xf32, #tpu.memory_space<vmem>>
      %dma_wait3A_131 = tpu.memref_squeeze %dma_wait3A_130 : memref<1x4096xf32, #tpu.memory_space<vmem>> -> memref<4096xf32, #tpu.memory_space<vmem>>
      %dma_wait3A_132 = tpu.memref_slice %arg4[%add3A_51, %mul3A_127] : memref<64x65536xf32, #tpu.memory_space<hbm>> -> memref<1x4096xf32, #tpu.memory_space<hbm>>
      %dma_wait3A_133 = tpu.memref_squeeze %dma_wait3A_132 : memref<1x4096xf32, #tpu.memory_space<hbm>> -> memref<4096xf32, #tpu.memory_space<hbm>>
      %dma_wait3A_134 = tpu.memref_slice %arg4[%add3A_51, %mul3A_127] : memref<64x65536xf32, #tpu.memory_space<hbm>> -> memref<1x4096xf32, #tpu.memory_space<hbm>>
      %dma_wait3A_135 = tpu.memref_squeeze %dma_wait3A_134 : memref<1x4096xf32, #tpu.memory_space<hbm>> -> memref<4096xf32, #tpu.memory_space<hbm>>
      %dma_wait3A_136 = arith.constant 0 : i32
      %dma_wait3A_137 = tpu.memref_slice %arg7[%dma_wait3A_128, %dma_wait3A_136] : memref<2x4096xf32, #tpu.memory_space<vmem>> -> memref<1x4096xf32, #tpu.memory_space<vmem>>
      %dma_wait3A_138 = tpu.memref_squeeze %dma_wait3A_137 : memref<1x4096xf32, #tpu.memory_space<vmem>> -> memref<4096xf32, #tpu.memory_space<vmem>>
      tpu.wait_dma2 semaphore(%arg9 : memref<!tpu.dma_semaphore, #tpu.memory_space<semaphore_mem>>) src(%dma_wait3A_138 : memref<4096xf32, #tpu.memory_space<vmem>>) dst(%dma_wait3A_135 : memref<4096xf32, #tpu.memory_space<hbm>>)
      %parallel_loop3A_139 = arith.constant 0 : i32
      %parallel_loop3A_140 = arith.constant 256 : i32
      %parallel_loop3A_141 = arith.constant 1 : i32
      scf.for %parallel_loop3A_188 = %parallel_loop3A_139 to %parallel_loop3A_140 step %parallel_loop3A_141  : i32 {
        %parallel_loop3A_189 = arith.constant 16 : i32
        %parallel_loop3A_190 = arith.muli %parallel_loop3A_188, %parallel_loop3A_189 : i32
        %parallel_loop3A_191 = arith.constant 12288 : i32
        %parallel_loop3A_192 = arith.addi %parallel_loop3A_191, %parallel_loop3A_190 : i32
        %parallel_loop3A_193 = arith.index_cast %parallel_loop3A_192 : i32 to index
        %parallel_loop3A_194 = tpu.vector_load %arg5[%parallel_loop3A_193] {strides = array<i32>} : memref<16384xi32, #tpu.memory_space<vmem>>, vector<16xi32>,
        %parallel_loop3A_195 = tpu.vector_load_idx %arg6[%parallel_loop3A_194] : memref<100000xf32, #tpu.memory_space<vmem>>[vector<16xi32>], vector<16xf32>,
        %parallel_loop3A_196 = arith.constant 16 : i32
        %parallel_loop3A_197 = arith.muli %parallel_loop3A_188, %parallel_loop3A_196 : i32
        %parallel_loop3A_198 = arith.constant 1 : i32
        %parallel_loop3A_199 = arith.index_cast %parallel_loop3A_198 : i32 to index
        %parallel_loop3A_200 = arith.index_cast %parallel_loop3A_197 : i32 to index
        %parallel_loop3A_201 = tpu.vector_load %arg7[%parallel_loop3A_199, %parallel_loop3A_200] {strides = array<i32>} : memref<2x4096xf32, #tpu.memory_space<vmem>>, vector<16xf32>,
        tpu.vector_store %arg7[%parallel_loop3A_199, %parallel_loop3A_200], %parallel_loop3A_195 {strides = array<i32>} : memref<2x4096xf32, #tpu.memory_space<vmem>>, vector<16xf32>,
      } {sc.loop_unroll_factor = 16 : i64, sc.parallel_access}
      %mul3A_142 = arith.constant 16384 : i32
      %mul3A_143 = arith.muli %select_n3A, %mul3A_142 : i32
      %add3A_144 = arith.constant 12288 : i32
      %add3A_145 = arith.addi %mul3A_143, %add3A_144 : i32
      %dma_start3A_146 = arith.constant 1 : i32
      %dma_start3A_147 = arith.constant 0 : i32
      %dma_start3A_148 = tpu.memref_slice %arg7[%dma_start3A_146, %dma_start3A_147] : memref<2x4096xf32, #tpu.memory_space<vmem>> -> memref<1x4096xf32, #tpu.memory_space<vmem>>
      %dma_start3A_149 = tpu.memref_squeeze %dma_start3A_148 : memref<1x4096xf32, #tpu.memory_space<vmem>> -> memref<4096xf32, #tpu.memory_space<vmem>>
      %dma_start3A_150 = tpu.memref_slice %arg4[%add3A_51, %add3A_145] : memref<64x65536xf32, #tpu.memory_space<hbm>> -> memref<1x4096xf32, #tpu.memory_space<hbm>>
      %dma_start3A_151 = tpu.memref_squeeze %dma_start3A_150 : memref<1x4096xf32, #tpu.memory_space<hbm>> -> memref<4096xf32, #tpu.memory_space<hbm>>
      %dma_start3A_152 = tpu.memref_slice %arg4[%add3A_51, %add3A_145] : memref<64x65536xf32, #tpu.memory_space<hbm>> -> memref<1x4096xf32, #tpu.memory_space<hbm>>
      %dma_start3A_153 = tpu.memref_squeeze %dma_start3A_152 : memref<1x4096xf32, #tpu.memory_space<hbm>> -> memref<4096xf32, #tpu.memory_space<hbm>>
      %dma_start3A_154 = arith.constant 0 : i32
      %dma_start3A_155 = tpu.memref_slice %arg7[%dma_start3A_146, %dma_start3A_154] : memref<2x4096xf32, #tpu.memory_space<vmem>> -> memref<1x4096xf32, #tpu.memory_space<vmem>>
      %dma_start3A_156 = tpu.memref_squeeze %dma_start3A_155 : memref<1x4096xf32, #tpu.memory_space<vmem>> -> memref<4096xf32, #tpu.memory_space<vmem>>
      tpu.enqueue_dma source(%dma_start3A_156 : memref<4096xf32, #tpu.memory_space<vmem>>) target(%dma_start3A_153 : memref<4096xf32, #tpu.memory_space<hbm>>) target_semaphore(%arg9 : memref<!tpu.dma_semaphore, #tpu.memory_space<semaphore_mem>>)
      %add3A_157 = arith.constant 1 : i32
      %add3A_158 = arith.addi %scan3A_48, %add3A_157 : i32
      %lt3A_159 = arith.constant 8 : i32
      %lt3A_160 = arith.cmpi slt, %add3A_158, %lt3A_159 : i32
      %convert_element_type3A = arith.extui %lt3A_160 : i1 to i32
      %cond3A = arith.constant 0 : i32
      %cond3A_161 = arith.cmpi ne, %convert_element_type3A, %cond3A : i32
      scf.if %cond3A_161 {
        %add3A_188 = arith.constant 1 : i32
        %add3A_189 = arith.addi %add3A_54, %add3A_188 : i32
        %dma_start3A_190 = arith.constant 0 : i32
        %dma_start3A_191 = tpu.memref_slice %arg3[%add3A_189, %dma_start3A_190] : memref<256x100000xf32, #tpu.memory_space<hbm>> -> memref<1x100000xf32, #tpu.memory_space<hbm>>
        %dma_start3A_192 = tpu.memref_squeeze %dma_start3A_191 : memref<1x100000xf32, #tpu.memory_space<hbm>> -> memref<100000xf32, #tpu.memory_space<hbm>>
        %dma_start3A_193 = arith.constant 0 : i32
        %dma_start3A_194 = tpu.memref_slice %arg3[%add3A_189, %dma_start3A_193] : memref<256x100000xf32, #tpu.memory_space<hbm>> -> memref<1x100000xf32, #tpu.memory_space<hbm>>
        %dma_start3A_195 = tpu.memref_squeeze %dma_start3A_194 : memref<1x100000xf32, #tpu.memory_space<hbm>> -> memref<100000xf32, #tpu.memory_space<hbm>>
        tpu.enqueue_dma source(%dma_start3A_195 : memref<100000xf32, #tpu.memory_space<hbm>>) target(%arg6 : memref<100000xf32, #tpu.memory_space<vmem>>) target_semaphore(%arg8 : memref<!tpu.dma_semaphore, #tpu.memory_space<semaphore_mem>>)
      } else {
      }
      %mul3A_162 = arith.constant 16384 : i32
      %mul3A_163 = arith.muli %select_n3A, %mul3A_162 : i32
      %dma_wait3A_164 = arith.constant 0 : i32
      %dma_wait3A_165 = arith.constant 0 : i32
      %dma_wait3A_166 = tpu.memref_slice %arg7[%dma_wait3A_164, %dma_wait3A_165] : memref<2x4096xf32, #tpu.memory_space<vmem>> -> memref<1x4096xf32, #tpu.memory_space<vmem>>
      %dma_wait3A_167 = tpu.memref_squeeze %dma_wait3A_166 : memref<1x4096xf32, #tpu.memory_space<vmem>> -> memref<4096xf32, #tpu.memory_space<vmem>>
      %dma_wait3A_168 = tpu.memref_slice %arg4[%add3A_51, %mul3A_163] : memref<64x65536xf32, #tpu.memory_space<hbm>> -> memref<1x4096xf32, #tpu.memory_space<hbm>>
      %dma_wait3A_169 = tpu.memref_squeeze %dma_wait3A_168 : memref<1x4096xf32, #tpu.memory_space<hbm>> -> memref<4096xf32, #tpu.memory_space<hbm>>
      %dma_wait3A_170 = tpu.memref_slice %arg4[%add3A_51, %mul3A_163] : memref<64x65536xf32, #tpu.memory_space<hbm>> -> memref<1x4096xf32, #tpu.memory_space<hbm>>
      %dma_wait3A_171 = tpu.memref_squeeze %dma_wait3A_170 : memref<1x4096xf32, #tpu.memory_space<hbm>> -> memref<4096xf32, #tpu.memory_space<hbm>>
      %dma_wait3A_172 = arith.constant 0 : i32
      %dma_wait3A_173 = tpu.memref_slice %arg7[%dma_wait3A_164, %dma_wait3A_172] : memref<2x4096xf32, #tpu.memory_space<vmem>> -> memref<1x4096xf32, #tpu.memory_space<vmem>>
      %dma_wait3A_174 = tpu.memref_squeeze %dma_wait3A_173 : memref<1x4096xf32, #tpu.memory_space<vmem>> -> memref<4096xf32, #tpu.memory_space<vmem>>
      tpu.wait_dma2 semaphore(%arg9 : memref<!tpu.dma_semaphore, #tpu.memory_space<semaphore_mem>>) src(%dma_wait3A_174 : memref<4096xf32, #tpu.memory_space<vmem>>) dst(%dma_wait3A_171 : memref<4096xf32, #tpu.memory_space<hbm>>)
      %mul3A_175 = arith.constant 16384 : i32
      %mul3A_176 = arith.muli %select_n3A, %mul3A_175 : i32
      %dma_wait3A_177 = arith.constant 0 : i32
      %dma_wait3A_178 = arith.constant 0 : i32
      %dma_wait3A_179 = tpu.memref_slice %arg7[%dma_wait3A_177, %dma_wait3A_178] : memref<2x4096xf32, #tpu.memory_space<vmem>> -> memref<1x4096xf32, #tpu.memory_space<vmem>>
      %dma_wait3A_180 = tpu.memref_squeeze %dma_wait3A_179 : memref<1x4096xf32, #tpu.memory_space<vmem>> -> memref<4096xf32, #tpu.memory_space<vmem>>
      %dma_wait3A_181 = tpu.memref_slice %arg4[%add3A_51, %mul3A_176] : memref<64x65536xf32, #tpu.memory_space<hbm>> -> memref<1x4096xf32, #tpu.memory_space<hbm>>
      %dma_wait3A_182 = tpu.memref_squeeze %dma_wait3A_181 : memref<1x4096xf32, #tpu.memory_space<hbm>> -> memref<4096xf32, #tpu.memory_space<hbm>>
      %dma_wait3A_183 = tpu.memref_slice %arg4[%add3A_51, %mul3A_176] : memref<64x65536xf32, #tpu.memory_space<hbm>> -> memref<1x4096xf32, #tpu.memory_space<hbm>>
      %dma_wait3A_184 = tpu.memref_squeeze %dma_wait3A_183 : memref<1x4096xf32, #tpu.memory_space<hbm>> -> memref<4096xf32, #tpu.memory_space<hbm>>
      %dma_wait3A_185 = arith.constant 0 : i32
      %dma_wait3A_186 = tpu.memref_slice %arg7[%dma_wait3A_177, %dma_wait3A_185] : memref<2x4096xf32, #tpu.memory_space<vmem>> -> memref<1x4096xf32, #tpu.memory_space<vmem>>
      %dma_wait3A_187 = tpu.memref_squeeze %dma_wait3A_186 : memref<1x4096xf32, #tpu.memory_space<vmem>> -> memref<4096xf32, #tpu.memory_space<vmem>>
      tpu.wait_dma2 semaphore(%arg9 : memref<!tpu.dma_semaphore, #tpu.memory_space<semaphore_mem>>) src(%dma_wait3A_187 : memref<4096xf32, #tpu.memory_space<vmem>>) dst(%dma_wait3A_184 : memref<4096xf32, #tpu.memory_space<hbm>>)
    }
    %scan3A_47 = arith.constant 8 : i32
    return
  }
}

</mosaic_0001>

<sc_bundles>
// kernel: kernel.3.cloned.1.call-start
scs
__scs_entry_jumppad:
0x0: {  	(pc) =	sbr.rel $0x88, $3  }
0x1: {  	(tag) =	ssettag $0x0;
	lr =	simm.s32 $0x1  }
0x2: {  	[smem:$0x3F9F] =	sst lr;
	_ =	strace $0xD0000000  }
0x3: {  	_ = 	snop  }
0x4: {  	_ = 	snop  }
0x5: {  	_ = 	snop  }
0x6: {  	_ = 	snop  }
0x7: {  	_ = 	snop  }
__scs_overlays_trampoline_lowered:
0x8: {  	[smem:$0x3FAE] =	sst s0  }
0x9: {  	[smem:$0x3FAF] =	sst s1  }
0xa: {  	[smem:$0x3FB0] =	sst s2  }
0xb: {  	[smem:$0x3FB1] =	sst s3  }
0xc: {  	[smem:$0x3FB2] =	sst s4  }
0xd: {  	[smem:$0x3FB3] =	sst s5  }
0xe: {  	[smem:$0x3FB4] =	sst s6  }
0xf: {  	[smem:$0x3FB5] =	sst s7  }
0x10: {  	[smem:$0x3FB6] =	sst s8  }
0x11: {  	[smem:$0x3FB7] =	sst s9;
	s0 =	simm.s32 @!p0 $0x0  }
0x12: {  	s1 =	sld [smem:$0x3F9D];
	s0 =	simm.s32 @p0 $0x1  }
0x13: {  	[smem:$0x3FB8] =	sst s0;
	s0 =	simm.s32 @!p1 $0x0  }
0x14: {  	s2 =	sld [smem:$0x3F9C];
	s0 =	simm.s32 @p1 $0x1  }
0x15: {  	[smem:$0x3FB9] =	sst s0;
	s0 =	simm.s32 @!p2 $0x0  }
0x16: {  	s3 =	sld [smem:$0x3FDB];
	s0 =	simm.s32 @p2 $0x1  }
0x17: {  	s4 =	simm.s32 $0x1BF5;
	[smem:$0x3FBB] =	sst s0  }
0x18: {  	s0 =	sld [smem:$0x3F9E];
	_ =	swait.ge [sflag:s4], $0x0  }
0x19: {  	s7 =	sld [smem:$0x3F9F]  }
0x1a: {  	s8 =	sadd.s32 $0xFFFFE003, lr  }
0x1b: {  	s9 =	sadd.s32 $0xFFFFFEF7, lr;
	s5 =	simm.s32 $0xFFFFFFFF;
	p2 =	slt.u32 s8, $0xFFFFF086  }
0x1c: {  	p1 =	slt.u32 s9, $0xF7A;
	s5 =	simm.s32 @!p2 $0x0  }
0x1d: {  	s5 =	simm.s32 @p1 $0x1;
	p0 =	seq.s32 s7, s2  }
0x1e: {  	s7 =	smul.u32 @!p0 $0xF7A, s2;
	p2 =	seq.s32 @!p0 s5, $0x0  }
0x1f: {  	s9 =	smul.u32 $0xF7A, s1;
	s8 =	simm.s32 @!p0 $0x1BF5;
	p2 =	por !p2, p0  }
0x20: {  	[sflag:s8] =	ssyncset.s32 @!p0 $0xFFFFF086;
	s6 =	sadd.s32 @!p0 s3, s7;
	s7 =	simm.s32 @!p0 $0x108  }
0x21: {  	s3 =	sadd.s32 s3, s9;
	s6 =	sadd.s32 @!p0 $0x88, s6;
	s7 =	simm.s32 @p2 $0x1082  }
0x22: {  	[simem:s7], [sflag:s8] =	dma.local @!p0 [hbm:s6], $0xF7A  }
0x23: {  	s9 =	sor.u32 $0xD0000000, s2;
	s6 =	simm.s32 $0x108;
	_ =	swait.ge @!p0 [sflag:s8], $0x0  }
0x24: {  	s3 =	sadd.s32 $0x88, s3;
	s6 =	simm.s32 @!p1 $0x1082;
	[sflag:s4] =	ssyncset.s32 $0xFFFFF086  }
0x25: {  	[simem:s6], [sflag:s4] =	dma.local [hbm:s3], $0xF7A  }
0x26: {  	[smem:$0x3F9F] =	sst s1;
	(tag) =	ssettag s2;
	_ =	strace s9  }
0x27: {  	s1 =	sld [smem:$0x3FAF]  }
0x28: {  	s2 =	sld [smem:$0x3FB0]  }
0x29: {  	s4 =	sld [smem:$0x3FB2]  }
0x2a: {  	p0 =	seq.s32 s5, $0x0;
	s5 =	sld [smem:$0x3FB3]  }
0x2b: {  	s6 =	sld [smem:$0x3FB4]  }
0x2c: {  	s7 =	sld [smem:$0x3FB5]  }
0x2d: {  	s3 =	simm.s32 $0x108;
	s8 =	sld [smem:$0x3FB6]  }
0x2e: {  	s3 =	simm.s32 @!p0 $0x1082;
	s9 =	sld [smem:$0x3FB7]  }
0x2f: {  	lr =	sadd.s32 s0, s3;
	s0 =	sld [smem:$0x3FAE]  }
0x30: {  	s3 =	sld [smem:$0x3FB1]  }
0x31: {  	[smem:$0x3FBA] =	sst s10  }
0x32: {  	s10 =	sld [smem:$0x3FB8];
	_ =	sdelay $0x3  }
0x33: {  	p0 =	seq.s32 s10, $0x1;
	s10 =	sld [smem:$0x3FBA];
	_ =	sdelay $0x3  }
0x34: {  	[smem:$0x3FBA] =	sst s10  }
0x35: {  	s10 =	sld [smem:$0x3FB9];
	_ =	sdelay $0x3  }
0x36: {  	p1 =	seq.s32 s10, $0x1;
	s10 =	sld [smem:$0x3FBA];
	_ =	sdelay $0x3  }
0x37: {  	[smem:$0x3FBA] =	sst s10  }
0x38: {  	s10 =	sld [smem:$0x3FBB]  }
0x39: {  	_ = 	snop;
	(pc) =	sbr.ind lr, $3  }
0x3a: {  	_ = 	snop  }
0x3b: {  	_ = 	snop  }
0x3c: {  	p2 =	seq.s32 s10, $0x1;
	s10 =	sld [smem:$0x3FBA]  }
0x3d: {  	_ =	shalt  }
0x3e: {  	_ =	shalt  }
0x3f: {  	_ =	shalt  }
0x40: {  	_ =	shalt  }
0x41: {  	_ =	shalt  }
0x42: {  	_ =	shalt  }
0x43: {  	_ =	shalt  }
0x44: {  	_ =	shalt  }
0x45: {  	_ =	shalt  }
0x46: {  	_ =	shalt  }
0x47: {  	_ =	shalt  }
0x48: {  	_ =	shalt  }
0x49: {  	_ =	shalt  }
0x4a: {  	_ =	shalt  }
0x4b: {  	_ =	shalt  }
0x4c: {  	_ =	shalt  }
0x4d: {  	_ =	shalt  }
0x4e: {  	_ =	shalt  }
0x4f: {  	_ =	shalt  }
0x50: {  	_ =	shalt  }
0x51: {  	_ =	shalt  }
0x52: {  	_ =	shalt  }
0x53: {  	_ =	shalt  }
0x54: {  	_ =	shalt  }
0x55: {  	_ =	shalt  }
0x56: {  	_ =	shalt  }
0x57: {  	_ =	shalt  }
0x58: {  	_ =	shalt  }
0x59: {  	_ =	shalt  }
0x5a: {  	_ =	shalt  }
0x5b: {  	_ =	shalt  }
0x5c: {  	_ =	shalt  }
0x5d: {  	_ =	shalt  }
0x5e: {  	_ =	shalt  }
0x5f: {  	_ =	shalt  }
0x60: {  	_ =	shalt  }
0x61: {  	_ =	shalt  }
0x62: {  	_ =	shalt  }
0x63: {  	_ =	shalt  }
0x64: {  	_ =	shalt  }
0x65: {  	_ =	shalt  }
0x66: {  	_ =	shalt  }
0x67: {  	_ =	shalt  }
0x68: {  	_ =	shalt  }
0x69: {  	_ =	shalt  }
0x6a: {  	_ =	shalt  }
0x6b: {  	_ =	shalt  }
0x6c: {  	_ =	shalt  }
0x6d: {  	_ =	shalt  }
0x6e: {  	_ =	shalt  }
0x6f: {  	_ =	shalt  }
0x70: {  	_ =	shalt  }
0x71: {  	_ =	shalt  }
0x72: {  	_ =	shalt  }
0x73: {  	_ =	shalt  }
0x74: {  	_ =	shalt  }
0x75: {  	_ =	shalt  }
0x76: {  	_ =	shalt  }
0x77: {  	_ =	shalt  }
0x78: {  	_ =	shalt  }
0x79: {  	_ =	shalt  }
0x7a: {  	_ =	shalt  }
0x7b: {  	_ =	shalt  }
0x7c: {  	_ =	shalt  }
0x7d: {  	_ =	shalt  }
0x7e: {  	_ =	shalt  }
0x7f: {  	_ =	shalt  }
0x80: {  	_ =	shalt  }
0x81: {  	_ =	shalt  }
0x82: {  	_ =	shalt  }
0x83: {  	_ =	shalt  }
0x84: {  	_ =	shalt  }
0x85: {  	_ =	shalt  }
0x86: {  	_ =	shalt  }
0x87: {  	_ =	shalt  }
.Lfunc_end0:
.L_simem_size_0:
called_computation_lowered:
.L_overlay_start_0:
0x88: {  	s2 =	sld [smem:$0x3FD9]  }
0x89: {  	s3 =	sld [smem:$0x3FFE];
	_ =	sdelay $0x1  }
0x8a: {  	s1 =	srdreg.scid  }
0x8b: {  	s0 =	sand.u32 $0x1, s1  }
0x8c: {  	s18 =	sshll.u32 s0, $0xA;
	s2 =	sadd.s32 s3, s2  }
0x8d: {  	s2 =	sadd.s32 s2, s18  }
0x8e: {  	[smem:$0x3FC6] =	sst s2  }
0x8f: {  	_ = 	snop  }
0x90: {  	s2 =	sld [smem:$0x3FC9]  }
0x91: {  	s19 =	sld [smem:$0x3FC8]  }
0x92: {  	s4 =	sld [smem:$0x3FD0];
	(tm) =	ssettm $0x1  }
0x93: {  	s5 =	sld [smem:$0x3FFB];
	_ =	sdelay $0x3  }
0x94: {  	_ =	strace s5  }
0x95: {  	s5 =	sld [smem:$0x3FFC];
	_ =	sdelay $0x3  }
0x96: {  	_ =	strace s5  }
0x97: {  	s5 =	sld [smem:$0x3FFD];
	_ =	sdelay $0x3  }
0x98: {  	_ =	strace s5  }
0x99: {  	_ =	strace $0x8FFFFFFF  }
0x9a: {  	s20 =	sld [smem:$0x3FDB];
	_ =	sdelay $0x1  }
0x9b: {  	s6 =	simm.s32 $_scs_section_size  }
0x9c: {  	s7 =	simm.s32 $_size__tile_overlayer_lowered;
	s8 =	simm.s32 $_tile_overlayer_lowered  }
0x9d: {  	s23 =	simm.s32 $0x1BFF;
	s22 =	sshll.u32 s8, $0x1;
	s5 =	sadd.s32 s6, s20  }
0x9e: {  	s9 =	simm.s32 $0x0;
	s21 =	sshll.u32 s7, $0x1;
	s7 =	sadd.s32 s22, s5  }
0x9f: {  	[timem:s9], [sflag:s23] =	dma.local [hbm:s7], s21  }
0xa0: {  	_ =	swait.ge [sflag:s23], s21  }
0xa1: {  	s6 =	ssub.s32 $0x0, s21;
	[sflag:s23] =	ssyncset.done $0x0  }
0xa2: {  	[sflag:s23] =	ssyncadd.s32 s6;
	_ =	sdelay $0x1  }
0xa3: {  	s24 =	simm.s32 $0x1B8B  }
0xa4: {  	_ =	swait.ge [sflag:s24], $0x1  }
0xa5: {  	[sflag:s24] =	ssyncset.done $0x0  }
0xa6: {  	s25 =	simm.s32 $0x1B8E;
	[sflag:s24] =	ssyncadd.s32 $0xFFFFFFFF  }
0xa7: {  	s26 =	simm.s32 $execute0_lowered;
	[smem:$0x3FD2] =	sst s25  }
0xa8: {  	s6 =	sshll.u32 s26, $0x1;
	_ =	strace $0x80000046;
	[dreg:$0x1] =	wrdreg $0xFFFFFFFF  }
0xa9: {  	s28 =	simm.s32 $_size_execute0_lowered;
	s5 =	sadd.s32 s5, s6;
	[dreg:$0x0] =	wrdreg $0x0  }
0xaa: {  	s6 =	sshll.u32 s28, $0x1;
	[dreg:$0x2] =	wrdreg s5  }
0xab: {  	[dreg:$0x3] =	wrdreg s6  }
0xac: {  	[dreg:$0x4] =	wrdreg $0xC0  }
0xad: {  	_ =	task [dreg:s9], $0x5FFFF  }
0xae: {  	[dreg:$0x1] =	wrdreg $0xFFFFFFFF  }
0xaf: {  	[dreg:$0x0] =	wrdreg $0x60  }
0xb0: {  	[dreg:$0x2] =	wrdreg s2  }
0xb1: {  	[dreg:$0x3] =	wrdreg s19  }
0xb2: {  	[dreg:$0x4] =	wrdreg s4  }
0xb3: {  	[dreg:$0x5] =	wrdreg $0x9  }
0xb4: {  	_ =	task.clear_ibuf [dreg:s9], $0x6FFFF;
	_ =	strace $0x90000046  }
0xb5: {  	s29 =	simm.s32 $0x9;
	_ =	strace $0x80000048  }
0xb6: {  	_ =	swait.ge [sflag:s29], $0x1  }
0xb7: {  	[sflag:s29] =	ssyncadd.s32 $0xFFFFFFFF  }
0xb8: {  	_ =	strace $0x90000048  }
0xb9: {  	_ =	sfence  }
0xba: {  	s30 =	sld [smem:$0x0];
	_ =	sdelay $0x2  }
0xbb: {  	s31 =	sshll.u32 s1, $0xD;
	s1 =	sshrl.u32 s1, $0x2  }
0xbc: {  	s3 =	sand.u32 $0x4000, s31;
	s1 =	sadd.s32 s1, s30  }
0xbd: {  	s0 =	sor.u32 s3, s0;
	s1 =	sshll.u32 s1, $0x11  }
0xbe: {  	s0 =	sor.u32 s1, s0  }
0xbf: {  	s0 =	sadd.s32 $0x8F2B, s0  }
0xc0: {  	[sflag:s0] =	ssyncadd.remote.s32 $0x1  }
0xc1: {  	_ =	sfence.sel $0xFFFF  }
0xc2: {  	[dreg:$0x0] =	wrdreg $0xFFFFFFFF;
	(pc) =	sbr.abs _section_cstart, $3  }
0xc3: {  	[dreg:$0x1] =	wrdreg $0xFFFFFFFF  }
0xc4: {  	_ =	task.clear_ibuf [dreg:s9], $0x2FFFF;
	_ =	strace $0x9FFFFFFF  }
0xc5: {  	(tm) =	ssettm $0x7FFFFFFF  }
tec
execute0_lowered:
.L_overlay_start_1:
0x0: {  	(tag) =	ssettag $0x1  }
0x1: {  	s6 =	rddreg [dreg:$0x0]  }
0x2: {  	s1 =	rddreg [dreg:$0x1];
	s0 =	stileid.u32  }
0x3: {  	s3 =	rddreg [dreg:$0x2];
	s2 =	srdreg.scid  }
0x4: {  	s13 =	simm.s32 $0x3;
	s14 =	simm.s32 $0x1;
	s15 =	simm.s32 $0x2  }
0x5: {  	s16 =	simm.s32 $0x0;
	s4 =	sshll.u32 s0, $0x1;
	s5 =	sand.u32 $0x1, s2  }
0x6: {  	s7 =	sshrl.u32 s0, $0x2;
	s2 =	rddreg [dreg:$0x3];
	s4 =	sand.u32 $0x6, s4  }
0x7: {  	s9 =	sshll.u32 s7, $0x3;
	s11 =	sshll.u32 s7, $0x6;
	s30 =	sshll.u32 s7, $0xB  }
0x8: {  	s7 =	sshll.u32 s7, $0x11;
	s8 =	sor.u32 s5, s4;
	s4 =	simm.s32 $0x0  }
0x9: {  	s5 =	ssub.s32 $0x2, s5;
	s6 =	sadd.s32 s6, s30;
	s9 =	sor.u32 s9, s8  }
0xa: {  	[smem:$0x7FF] =	sst s4;
	s10 =	sshrl.u32 s5, $0x1;
	s12 =	sshll.u32 s8, $0x3  }
0xb: {  	s8 =	sshll.u32 s8, $0x13;
	s9 =	smul.u32 $0x18700, s9;
	_ =	strace $0x80000047  }
0xc: {  	s10 =	ssub.s32 s5, s10;
	s7 =	sor.u32 s7, s8;
	s31 =	sor.u32 s12, s11  }
0xd: {  	s11 =	simm.s32 $0x400;
	s12 =	simm.s32 $0x4000;
	s8 =	sor.u32 $0x1, s31  }
0xe: {  	s5 =	sadd.s32 s1, s9;
	s9 =	smax.u32 s10, $0x1;
	s10 =	simm.s32 $0x80  }
.LBB2_1:
0xf: {  	[tilespmem:s12], [sflag:$0x1] =	stream.strided.gather [hbm4b:s5+s10], $0x18700, s11, s10, $0x38;
	[tilespmem:$0x1E700] =	vst v63  }
0x10: {  	_ = 	snop  }
0x11: {  	[tilespmem:s4], [sflag:$0x3] =	stream.linear.gather [hbm4b:s6+s4], $0x4000, $0x38;
	[tilespmem:$0x1E700] =	vst v63  }
0x12: {  	_ =	swait.ge [sflag:s13], $0x4000  }
0x13: {  	[sflag:s13] =	ssyncset.done $0x0  }
0x14: {  	s17 =	simm.s32 $0x0;
	[sflag:s13] =	ssyncadd.s32 $0xFFFFC000  }
.LBB2_2:
0x15: {  	_ =	swait.ge [sflag:s14], $0x18700  }
0x16: {  	[sflag:s14] =	ssyncset.done $0x0  }
0x17: {  	s18 =	simm.s32 $0x80;
	[sflag:s14] =	ssyncadd.s32 $0xFFFE7900  }
0x18: {  	v0 =	vld [tilespmem:s18+$0x70]  }
0x19: {  	v1 =	vld [tilespmem:s18+$0xFFFFFF90]  }
0x1a: {  	v2 =	vld [tilespmem:s18+$0xFFFFFFA0]  }
0x1b: {  	v3 =	vld [tilespmem:s18+$0xFFFFFFB0]  }
0x1c: {  	v4 =	vld [tilespmem:s18+$0xFFFFFFC0]  }
0x1d: {  	v5 =	vld [tilespmem:s18+$0xFFFFFFD0]  }
0x1e: {  	v6 =	vld [tilespmem:s18+$0xFFFFFFE0]  }
0x1f: {  	v7 =	vld [tilespmem:s18+$0xFFFFFFF0]  }
0x20: {  	v8 =	vld [tilespmem:s18+$0x0]  }
0x21: {  	v9 =	vld [tilespmem:s18+$0x10]  }
0x22: {  	v10 =	vld [tilespmem:s18+$0x20]  }
0x23: {  	v11 =	vld [tilespmem:s18+$0x30]  }
0x24: {  	v12 =	vld [tilespmem:s18+$0x40]  }
0x25: {  	v13 =	vld [tilespmem:s18+$0x50]  }
0x26: {  	v14 =	vld [tilespmem:s18+$0x60]  }
0x27: {  	v15 =	vld [tilespmem:s18+$0xFFFFFF80]  }
0x28: {  	v0 =	vld.idx.msk [tilespmem:v0+s12+$0x0], $0xffff  }
0x29: {  	v1 =	vld.idx.msk [tilespmem:v1+s12+$0x0], $0xffff  }
0x2a: {  	v2 =	vld.idx.msk [tilespmem:v2+s12+$0x0], $0xffff  }
0x2b: {  	v3 =	vld.idx.msk [tilespmem:v3+s12+$0x0], $0xffff  }
0x2c: {  	v4 =	vld.idx.msk [tilespmem:v4+s12+$0x0], $0xffff  }
0x2d: {  	s19 =	simm.s32 $0x1C800;
	v5 =	vld.idx.msk [tilespmem:v5+s12+$0x0], $0xffff  }
0x2e: {  	v6 =	vld.idx.msk [tilespmem:v6+s12+$0x0], $0xffff;
	[tilespmem:s19+$0x70] =	vst v0  }
0x2f: {  	v7 =	vld.idx.msk [tilespmem:v7+s12+$0x0], $0xffff;
	[tilespmem:s19+$0xFFFFFF10] =	vst v1  }
0x30: {  	v15 =	vld.idx.msk [tilespmem:v15+s12+$0x0], $0xffff;
	[tilespmem:s19+$0xFFFFFF20] =	vst v2  }
0x31: {  	v8 =	vld.idx.msk [tilespmem:v8+s12+$0x0], $0xffff;
	[tilespmem:s19+$0xFFFFFF30] =	vst v3  }
0x32: {  	[tilespmem:s19+$0xFFFFFF40] =	vst v4;
	v0 =	vld.idx.msk [tilespmem:v9+s12+$0x0], $0xffff  }
0x33: {  	[tilespmem:s19+$0xFFFFFF50] =	vst v5;
	v1 =	vld.idx.msk [tilespmem:v10+s12+$0x0], $0xffff  }
0x34: {  	[tilespmem:s19+$0xFFFFFF60] =	vst v6;
	v2 =	vld.idx.msk [tilespmem:v11+s12+$0x0], $0xffff  }
0x35: {  	[tilespmem:s19+$0xFFFFFF70] =	vst v7;
	v3 =	vld.idx.msk [tilespmem:v12+s12+$0x0], $0xffff  }
0x36: {  	[tilespmem:s19+$0xFFFFFF00] =	vst v15;
	v4 =	vld.idx.msk [tilespmem:v13+s12+$0x0], $0xffff  }
0x37: {  	s20 =	simm.s32 $0x180;
	s18 =	simm.s32 $0x0;
	[tilespmem:s19+$0x0] =	vst v8;
	v5 =	vld.idx.msk [tilespmem:v14+s12+$0x0], $0xffff  }
.LBB2_3:
0x38: {  	v6 =	vld [tilespmem:s20+$0x70];
	s18 =	sadd.s32 $0x10, s18;
	[tilespmem:s19+$0x10] =	vst v0  }
0x39: {  	v0 =	vld [tilespmem:s20+$0xFFFFFF90];
	p0 =	slt.u32 s18, $0xF0;
	[tilespmem:s19+$0x20] =	vst v1  }
0x3a: {  	v1 =	vld [tilespmem:s20+$0xFFFFFFA0];
	[tilespmem:s19+$0x30] =	vst v2  }
0x3b: {  	v2 =	vld [tilespmem:s20+$0xFFFFFFB0];
	[tilespmem:s19+$0x40] =	vst v3  }
0x3c: {  	v3 =	vld [tilespmem:s20+$0xFFFFFFC0];
	[tilespmem:s19+$0x50] =	vst v4  }
0x3d: {  	v4 =	vld [tilespmem:s20+$0xFFFFFFD0];
	[tilespmem:s19+$0x60] =	vst v5  }
0x3e: {  	v5 =	vld [tilespmem:s20+$0xFFFFFFE0]  }
0x3f: {  	v7 =	vld [tilespmem:s20+$0xFFFFFFF0]  }
0x40: {  	v6 =	vld.idx.msk [tilespmem:v6+s12+$0x0], $0xffff  }
0x41: {  	v8 =	vld [tilespmem:s20+$0x0]  }
0x42: {  	v9 =	vld [tilespmem:s20+$0x10]  }
0x43: {  	v10 =	vld [tilespmem:s20+$0x20]  }
0x44: {  	v11 =	vld [tilespmem:s20+$0x30]  }
0x45: {  	s19 =	sadd.s32 $0x200, s19;
	v12 =	vld [tilespmem:s20+$0x40]  }
0x46: {  	v13 =	vld [tilespmem:s20+$0x50];
	[tilespmem:s19+$0x70] =	vst v6  }
0x47: {  	v6 =	vld [tilespmem:s20+$0x60]  }
0x48: {  	v14 =	vld [tilespmem:s20+$0xFFFFFF80]  }
0x49: {  	v0 =	vld.idx.msk [tilespmem:v0+s12+$0x0], $0xffff  }
0x4a: {  	v1 =	vld.idx.msk [tilespmem:v1+s12+$0x0], $0xffff  }
0x4b: {  	v2 =	vld.idx.msk [tilespmem:v2+s12+$0x0], $0xffff  }
0x4c: {  	v3 =	vld.idx.msk [tilespmem:v3+s12+$0x0], $0xffff  }
0x4d: {  	v4 =	vld.idx.msk [tilespmem:v4+s12+$0x0], $0xffff  }
0x4e: {  	v5 =	vld.idx.msk [tilespmem:v5+s12+$0x0], $0xffff  }
0x4f: {  	[tilespmem:s19+$0xFFFFFF10] =	vst v0;
	v7 =	vld.idx.msk [tilespmem:v7+s12+$0x0], $0xffff  }
0x50: {  	v14 =	vld.idx.msk [tilespmem:v14+s12+$0x0], $0xffff;
	[tilespmem:s19+$0xFFFFFF20] =	vst v1  }
0x51: {  	[tilespmem:s19+$0xFFFFFF30] =	vst v2;
	v8 =	vld.idx.msk [tilespmem:v8+s12+$0x0], $0xffff  }
0x52: {  	[tilespmem:s19+$0xFFFFFF40] =	vst v3;
	v0 =	vld.idx.msk [tilespmem:v9+s12+$0x0], $0xffff  }
.Ltmp0:
0x53: {  	[tilespmem:s19+$0xFFFFFF50] =	vst v4;
	v1 =	vld.idx.msk [tilespmem:v10+s12+$0x0], $0xffff;
	(pc) =	sbr.rel @p0 .LBB2_3-.Ltmp0, $4  }
0x54: {  	[tilespmem:s19+$0xFFFFFF60] =	vst v5;
	v2 =	vld.idx.msk [tilespmem:v11+s12+$0x0], $0xffff  }
0x55: {  	[tilespmem:s19+$0xFFFFFF70] =	vst v7;
	v3 =	vld.idx.msk [tilespmem:v12+s12+$0x0], $0xffff  }
0x56: {  	[tilespmem:s19+$0xFFFFFF00] =	vst v14;
	v4 =	vld.idx.msk [tilespmem:v13+s12+$0x0], $0xffff  }
0x57: {  	s20 =	sadd.s32 $0x100, s20;
	[tilespmem:s19+$0x0] =	vst v8;
	v5 =	vld.idx.msk [tilespmem:v6+s12+$0x0], $0xffff  }
0x58: {  	[tilespmem:s19+$0x10] =	vst v0  }
0x59: {  	[tilespmem:s19+$0x20] =	vst v1  }
0x5a: {  	s18 =	sshll.u32 s17, $0x7;
	[tilespmem:s19+$0x30] =	vst v2  }
0x5b: {  	s18 =	sor.u32 s18, s7;
	[tilespmem:s19+$0x40] =	vst v3  }
0x5c: {  	s18 =	sshrl.u32 s18, $0x3;
	[tilespmem:s19+$0x50] =	vst v4  }
0x5d: {  	s20 =	simm.s32 $0x0;
	s21 =	simm.s32 $0x1C700;
	[tilespmem:s19+$0x60] =	vst v5;
	s19 =	sadd.s32 s3, s18  }
.LBB2_5:
0x5e: {  	p0 =	sne.s32 s20, $0xF80  }
.Ltmp1:
0x5f: {  	_ = 	snop;
	(pc) =	sbr.rel @p0 .LBB2_5-.Ltmp1, $4  }
0x60: {  	_ = 	snop  }
0x61: {  	s22 =	sadd.s32 s20, s19  }
0x62: {  	[hbm4b:s22+s4] =	stream.linear.scatter [tilespmem:s21], [sflag:$0x2], $0x80, $0x38;
	[tilespmem:$0x1E700] =	vst v63  }
0x63: {  	s20 =	sadd.s32 $0x80, s20;
	s21 =	sadd.s32 $0x100, s21  }
0x64: {  	s19 =	simm.s32 $0x10F0  }
0x65: {  	v0 =	vld [tilespmem:s19+$0x0]  }
0x66: {  	v1 =	vld [tilespmem:s19+$0xFFFFFF20]  }
0x67: {  	v2 =	vld [tilespmem:s19+$0xFFFFFF30]  }
0x68: {  	v3 =	vld [tilespmem:s19+$0xFFFFFF40]  }
0x69: {  	v4 =	vld [tilespmem:s19+$0xFFFFFF50]  }
0x6a: {  	v5 =	vld [tilespmem:s19+$0xFFFFFF60]  }
0x6b: {  	v6 =	vld [tilespmem:s19+$0xFFFFFF70]  }
0x6c: {  	v7 =	vld [tilespmem:s19+$0xFFFFFF80]  }
0x6d: {  	v8 =	vld [tilespmem:s19+$0xFFFFFF90]  }
0x6e: {  	v9 =	vld [tilespmem:s19+$0xFFFFFFA0]  }
0x6f: {  	v10 =	vld [tilespmem:s19+$0xFFFFFFB0]  }
0x70: {  	v11 =	vld [tilespmem:s19+$0xFFFFFFC0]  }
0x71: {  	v12 =	vld [tilespmem:s19+$0xFFFFFFD0]  }
0x72: {  	v13 =	vld [tilespmem:s19+$0xFFFFFFE0]  }
0x73: {  	v14 =	vld [tilespmem:s19+$0xFFFFFFF0]  }
0x74: {  	v15 =	vld [tilespmem:s19+$0xFFFFFF10]  }
0x75: {  	v0 =	vld.idx.msk [tilespmem:v0+s12+$0x0], $0xffff  }
0x76: {  	v1 =	vld.idx.msk [tilespmem:v1+s12+$0x0], $0xffff  }
0x77: {  	v2 =	vld.idx.msk [tilespmem:v2+s12+$0x0], $0xffff  }
0x78: {  	v3 =	vld.idx.msk [tilespmem:v3+s12+$0x0], $0xffff  }
0x79: {  	v4 =	vld.idx.msk [tilespmem:v4+s12+$0x0], $0xffff  }
0x7a: {  	s19 =	simm.s32 $0x1C880;
	v5 =	vld.idx.msk [tilespmem:v5+s12+$0x0], $0xffff  }
0x7b: {  	v6 =	vld.idx.msk [tilespmem:v6+s12+$0x0], $0xffff;
	[tilespmem:s19+$0x70] =	vst v0  }
0x7c: {  	v7 =	vld.idx.msk [tilespmem:v7+s12+$0x0], $0xffff;
	[tilespmem:s19+$0xFFFFFF10] =	vst v1  }
0x7d: {  	v15 =	vld.idx.msk [tilespmem:v15+s12+$0x0], $0xffff;
	[tilespmem:s19+$0xFFFFFF20] =	vst v2  }
0x7e: {  	v8 =	vld.idx.msk [tilespmem:v8+s12+$0x0], $0xffff;
	[tilespmem:s19+$0xFFFFFF30] =	vst v3  }
0x7f: {  	[tilespmem:s19+$0xFFFFFF40] =	vst v4;
	v0 =	vld.idx.msk [tilespmem:v9+s12+$0x0], $0xffff  }
0x80: {  	[tilespmem:s19+$0xFFFFFF50] =	vst v5;
	v1 =	vld.idx.msk [tilespmem:v10+s12+$0x0], $0xffff  }
0x81: {  	[tilespmem:s19+$0xFFFFFF60] =	vst v6;
	v2 =	vld.idx.msk [tilespmem:v11+s12+$0x0], $0xffff  }
0x82: {  	[tilespmem:s19+$0xFFFFFF70] =	vst v7;
	v3 =	vld.idx.msk [tilespmem:v12+s12+$0x0], $0xffff  }
0x83: {  	[tilespmem:s19+$0xFFFFFF00] =	vst v15;
	v4 =	vld.idx.msk [tilespmem:v13+s12+$0x0], $0xffff  }
0x84: {  	s20 =	simm.s32 $0x0;
	s21 =	simm.s32 $0x11F0;
	[tilespmem:s19+$0x0] =	vst v8;
	v5 =	vld.idx.msk [tilespmem:v14+s12+$0x0], $0xffff  }
.LBB2_7:
0x85: {  	v6 =	vld [tilespmem:s21+$0x0];
	s20 =	sadd.s32 $0x10, s20;
	[tilespmem:s19+$0x10] =	vst v0  }
0x86: {  	v0 =	vld [tilespmem:s21+$0xFFFFFF20];
	p0 =	slt.u32 s20, $0xF0;
	[tilespmem:s19+$0x20] =	vst v1  }
0x87: {  	v1 =	vld [tilespmem:s21+$0xFFFFFF30];
	[tilespmem:s19+$0x30] =	vst v2  }
0x88: {  	v2 =	vld [tilespmem:s21+$0xFFFFFF40];
	[tilespmem:s19+$0x40] =	vst v3  }
0x89: {  	v3 =	vld [tilespmem:s21+$0xFFFFFF50];
	[tilespmem:s19+$0x50] =	vst v4  }
0x8a: {  	v4 =	vld [tilespmem:s21+$0xFFFFFF60];
	[tilespmem:s19+$0x60] =	vst v5  }
0x8b: {  	v5 =	vld [tilespmem:s21+$0xFFFFFF70]  }
0x8c: {  	v7 =	vld [tilespmem:s21+$0xFFFFFF80]  }
0x8d: {  	v6 =	vld.idx.msk [tilespmem:v6+s12+$0x0], $0xffff  }
0x8e: {  	v8 =	vld [tilespmem:s21+$0xFFFFFF90]  }
0x8f: {  	v9 =	vld [tilespmem:s21+$0xFFFFFFA0]  }
0x90: {  	v10 =	vld [tilespmem:s21+$0xFFFFFFB0]  }
0x91: {  	v11 =	vld [tilespmem:s21+$0xFFFFFFC0]  }
0x92: {  	s19 =	sadd.s32 $0x200, s19;
	v12 =	vld [tilespmem:s21+$0xFFFFFFD0]  }
0x93: {  	v13 =	vld [tilespmem:s21+$0xFFFFFFE0];
	[tilespmem:s19+$0x70] =	vst v6  }
0x94: {  	v6 =	vld [tilespmem:s21+$0xFFFFFFF0]  }
0x95: {  	v14 =	vld [tilespmem:s21+$0xFFFFFF10]  }
0x96: {  	v0 =	vld.idx.msk [tilespmem:v0+s12+$0x0], $0xffff  }
0x97: {  	v1 =	vld.idx.msk [tilespmem:v1+s12+$0x0], $0xffff  }
0x98: {  	v2 =	vld.idx.msk [tilespmem:v2+s12+$0x0], $0xffff  }
0x99: {  	v3 =	vld.idx.msk [tilespmem:v3+s12+$0x0], $0xffff  }
0x9a: {  	v4 =	vld.idx.msk [tilespmem:v4+s12+$0x0], $0xffff  }
0x9b: {  	v5 =	vld.idx.msk [tilespmem:v5+s12+$0x0], $0xffff  }
0x9c: {  	[tilespmem:s19+$0xFFFFFF10] =	vst v0;
	v7 =	vld.idx.msk [tilespmem:v7+s12+$0x0], $0xffff  }
0x9d: {  	v14 =	vld.idx.msk [tilespmem:v14+s12+$0x0], $0xffff;
	[tilespmem:s19+$0xFFFFFF20] =	vst v1  }
0x9e: {  	[tilespmem:s19+$0xFFFFFF30] =	vst v2;
	v8 =	vld.idx.msk [tilespmem:v8+s12+$0x0], $0xffff  }
0x9f: {  	[tilespmem:s19+$0xFFFFFF40] =	vst v3;
	v0 =	vld.idx.msk [tilespmem:v9+s12+$0x0], $0xffff  }
.Ltmp2:
0xa0: {  	[tilespmem:s19+$0xFFFFFF50] =	vst v4;
	v1 =	vld.idx.msk [tilespmem:v10+s12+$0x0], $0xffff;
	(pc) =	sbr.rel @p0 .LBB2_7-.Ltmp2, $4  }
0xa1: {  	[tilespmem:s19+$0xFFFFFF60] =	vst v5;
	v2 =	vld.idx.msk [tilespmem:v11+s12+$0x0], $0xffff  }
0xa2: {  	[tilespmem:s19+$0xFFFFFF70] =	vst v7;
	v3 =	vld.idx.msk [tilespmem:v12+s12+$0x0], $0xffff  }
0xa3: {  	[tilespmem:s19+$0xFFFFFF00] =	vst v14;
	v4 =	vld.idx.msk [tilespmem:v13+s12+$0x0], $0xffff  }
0xa4: {  	s21 =	sadd.s32 $0x100, s21;
	[tilespmem:s19+$0x0] =	vst v8;
	v5 =	vld.idx.msk [tilespmem:v6+s12+$0x0], $0xffff  }
0xa5: {  	[tilespmem:s19+$0x10] =	vst v0  }
0xa6: {  	[tilespmem:s19+$0x20] =	vst v1  }
0xa7: {  	[tilespmem:s19+$0x30] =	vst v2  }
0xa8: {  	s20 =	sor.u32 $0x1000, s18;
	[tilespmem:s19+$0x40] =	vst v3  }
0xa9: {  	s21 =	simm.s32 $0x1C780;
	s20 =	sadd.s32 s3, s20;
	[tilespmem:s19+$0x50] =	vst v4  }
0xaa: {  	s22 =	simm.s32 $0x1C880;
	s23 =	sadd.s32 $0x0, s20;
	[tilespmem:s19+$0x60] =	vst v5;
	s19 =	simm.s32 $0x80  }
.LBB2_9:
0xab: {  	[hbm4b:s23+s4] =	stream.linear.scatter [tilespmem:s21], [sflag:$0x2], $0x80, $0x38;
	[tilespmem:$0x1E700] =	vst v63  }
0xac: {  	s23 =	smov.u32 s19;
	s21 =	smov.u32 s22;
	p0 =	sne.s32 s19, $0xF80  }
.Ltmp3:
0xad: {  	s19 =	sadd.s32 $0x80, s19;
	(pc) =	sbr.rel @p0 .LBB2_9-.Ltmp3, $2  }
0xae: {  	_ =	sdelay $0x2  }
0xaf: {  	s22 =	sadd.s32 $0x100, s22;
	s23 =	sadd.s32 s23, s20  }
0xb0: {  	[hbm4b:s23+s4] =	stream.linear.scatter [tilespmem:s21], [sflag:$0x2], $0x80, $0x38;
	[tilespmem:$0x1E700] =	vst v63  }
0xb1: {  	_ =	swait.ge [sflag:s15], $0x1000  }
0xb2: {  	[sflag:s15] =	ssyncset.done $0x0  }
0xb3: {  	s19 =	simm.s32 $0x20F0;
	[sflag:s15] =	ssyncadd.s32 $0xFFFFF000  }
0xb4: {  	v0 =	vld [tilespmem:s19+$0x0]  }
0xb5: {  	v1 =	vld [tilespmem:s19+$0xFFFFFF20]  }
0xb6: {  	v2 =	vld [tilespmem:s19+$0xFFFFFF30]  }
0xb7: {  	v3 =	vld [tilespmem:s19+$0xFFFFFF40]  }
0xb8: {  	v4 =	vld [tilespmem:s19+$0xFFFFFF50]  }
0xb9: {  	v5 =	vld [tilespmem:s19+$0xFFFFFF60]  }
0xba: {  	v6 =	vld [tilespmem:s19+$0xFFFFFF70]  }
0xbb: {  	v7 =	vld [tilespmem:s19+$0xFFFFFF80]  }
0xbc: {  	v8 =	vld [tilespmem:s19+$0xFFFFFF90]  }
0xbd: {  	v9 =	vld [tilespmem:s19+$0xFFFFFFA0]  }
0xbe: {  	v10 =	vld [tilespmem:s19+$0xFFFFFFB0]  }
0xbf: {  	v11 =	vld [tilespmem:s19+$0xFFFFFFC0]  }
0xc0: {  	v12 =	vld [tilespmem:s19+$0xFFFFFFD0]  }
0xc1: {  	v13 =	vld [tilespmem:s19+$0xFFFFFFE0]  }
0xc2: {  	v14 =	vld [tilespmem:s19+$0xFFFFFFF0]  }
0xc3: {  	v15 =	vld [tilespmem:s19+$0xFFFFFF10]  }
0xc4: {  	v0 =	vld.idx.msk [tilespmem:v0+s12+$0x0], $0xffff  }
0xc5: {  	v1 =	vld.idx.msk [tilespmem:v1+s12+$0x0], $0xffff  }
0xc6: {  	v2 =	vld.idx.msk [tilespmem:v2+s12+$0x0], $0xffff  }
0xc7: {  	v3 =	vld.idx.msk [tilespmem:v3+s12+$0x0], $0xffff  }
0xc8: {  	v4 =	vld.idx.msk [tilespmem:v4+s12+$0x0], $0xffff  }
0xc9: {  	s19 =	simm.s32 $0x1C800;
	v5 =	vld.idx.msk [tilespmem:v5+s12+$0x0], $0xffff  }
0xca: {  	v6 =	vld.idx.msk [tilespmem:v6+s12+$0x0], $0xffff;
	[tilespmem:s19+$0x70] =	vst v0  }
0xcb: {  	v7 =	vld.idx.msk [tilespmem:v7+s12+$0x0], $0xffff;
	[tilespmem:s19+$0xFFFFFF10] =	vst v1  }
0xcc: {  	v15 =	vld.idx.msk [tilespmem:v15+s12+$0x0], $0xffff;
	[tilespmem:s19+$0xFFFFFF20] =	vst v2  }
0xcd: {  	v8 =	vld.idx.msk [tilespmem:v8+s12+$0x0], $0xffff;
	[tilespmem:s19+$0xFFFFFF30] =	vst v3  }
0xce: {  	[tilespmem:s19+$0xFFFFFF40] =	vst v4;
	v0 =	vld.idx.msk [tilespmem:v9+s12+$0x0], $0xffff  }
0xcf: {  	[tilespmem:s19+$0xFFFFFF50] =	vst v5;
	v1 =	vld.idx.msk [tilespmem:v10+s12+$0x0], $0xffff  }
0xd0: {  	[tilespmem:s19+$0xFFFFFF60] =	vst v6;
	v2 =	vld.idx.msk [tilespmem:v11+s12+$0x0], $0xffff  }
0xd1: {  	[tilespmem:s19+$0xFFFFFF70] =	vst v7;
	v3 =	vld.idx.msk [tilespmem:v12+s12+$0x0], $0xffff  }
0xd2: {  	[tilespmem:s19+$0xFFFFFF00] =	vst v15;
	v4 =	vld.idx.msk [tilespmem:v13+s12+$0x0], $0xffff  }
0xd3: {  	s20 =	simm.s32 $0x0;
	s21 =	simm.s32 $0x21F0;
	[tilespmem:s19+$0x0] =	vst v8;
	v5 =	vld.idx.msk [tilespmem:v14+s12+$0x0], $0xffff  }
.LBB2_11:
0xd4: {  	v6 =	vld [tilespmem:s21+$0x0];
	s20 =	sadd.s32 $0x10, s20;
	[tilespmem:s19+$0x10] =	vst v0  }
0xd5: {  	v0 =	vld [tilespmem:s21+$0xFFFFFF20];
	p0 =	slt.u32 s20, $0xF0;
	[tilespmem:s19+$0x20] =	vst v1  }
0xd6: {  	v1 =	vld [tilespmem:s21+$0xFFFFFF30];
	[tilespmem:s19+$0x30] =	vst v2  }
0xd7: {  	v2 =	vld [tilespmem:s21+$0xFFFFFF40];
	[tilespmem:s19+$0x40] =	vst v3  }
0xd8: {  	v3 =	vld [tilespmem:s21+$0xFFFFFF50];
	[tilespmem:s19+$0x50] =	vst v4  }
0xd9: {  	v4 =	vld [tilespmem:s21+$0xFFFFFF60];
	[tilespmem:s19+$0x60] =	vst v5  }
0xda: {  	v5 =	vld [tilespmem:s21+$0xFFFFFF70]  }
0xdb: {  	v7 =	vld [tilespmem:s21+$0xFFFFFF80]  }
0xdc: {  	v6 =	vld.idx.msk [tilespmem:v6+s12+$0x0], $0xffff  }
0xdd: {  	v8 =	vld [tilespmem:s21+$0xFFFFFF90]  }
0xde: {  	v9 =	vld [tilespmem:s21+$0xFFFFFFA0]  }
0xdf: {  	v10 =	vld [tilespmem:s21+$0xFFFFFFB0]  }
0xe0: {  	v11 =	vld [tilespmem:s21+$0xFFFFFFC0]  }
0xe1: {  	s19 =	sadd.s32 $0x200, s19;
	v12 =	vld [tilespmem:s21+$0xFFFFFFD0]  }
0xe2: {  	v13 =	vld [tilespmem:s21+$0xFFFFFFE0];
	[tilespmem:s19+$0x70] =	vst v6  }
0xe3: {  	v6 =	vld [tilespmem:s21+$0xFFFFFFF0]  }
0xe4: {  	v14 =	vld [tilespmem:s21+$0xFFFFFF10]  }
0xe5: {  	v0 =	vld.idx.msk [tilespmem:v0+s12+$0x0], $0xffff  }
0xe6: {  	v1 =	vld.idx.msk [tilespmem:v1+s12+$0x0], $0xffff  }
0xe7: {  	v2 =	vld.idx.msk [tilespmem:v2+s12+$0x0], $0xffff  }
0xe8: {  	v3 =	vld.idx.msk [tilespmem:v3+s12+$0x0], $0xffff  }
0xe9: {  	v4 =	vld.idx.msk [tilespmem:v4+s12+$0x0], $0xffff  }
0xea: {  	v5 =	vld.idx.msk [tilespmem:v5+s12+$0x0], $0xffff  }
0xeb: {  	[tilespmem:s19+$0xFFFFFF10] =	vst v0;
	v7 =	vld.idx.msk [tilespmem:v7+s12+$0x0], $0xffff  }
0xec: {  	v14 =	vld.idx.msk [tilespmem:v14+s12+$0x0], $0xffff;
	[tilespmem:s19+$0xFFFFFF20] =	vst v1  }
0xed: {  	[tilespmem:s19+$0xFFFFFF30] =	vst v2;
	v8 =	vld.idx.msk [tilespmem:v8+s12+$0x0], $0xffff  }
0xee: {  	[tilespmem:s19+$0xFFFFFF40] =	vst v3;
	v0 =	vld.idx.msk [tilespmem:v9+s12+$0x0], $0xffff  }
.Ltmp4:
0xef: {  	[tilespmem:s19+$0xFFFFFF50] =	vst v4;
	v1 =	vld.idx.msk [tilespmem:v10+s12+$0x0], $0xffff;
	(pc) =	sbr.rel @p0 .LBB2_11-.Ltmp4, $4  }
0xf0: {  	[tilespmem:s19+$0xFFFFFF60] =	vst v5;
	v2 =	vld.idx.msk [tilespmem:v11+s12+$0x0], $0xffff  }
0xf1: {  	[tilespmem:s19+$0xFFFFFF70] =	vst v7;
	v3 =	vld.idx.msk [tilespmem:v12+s12+$0x0], $0xffff  }
0xf2: {  	[tilespmem:s19+$0xFFFFFF00] =	vst v14;
	v4 =	vld.idx.msk [tilespmem:v13+s12+$0x0], $0xffff  }
0xf3: {  	s21 =	sadd.s32 $0x100, s21;
	[tilespmem:s19+$0x0] =	vst v8;
	v5 =	vld.idx.msk [tilespmem:v6+s12+$0x0], $0xffff  }
0xf4: {  	[tilespmem:s19+$0x10] =	vst v0  }
0xf5: {  	[tilespmem:s19+$0x20] =	vst v1  }
0xf6: {  	[tilespmem:s19+$0x30] =	vst v2  }
0xf7: {  	s20 =	sor.u32 $0x2000, s18;
	[tilespmem:s19+$0x40] =	vst v3  }
0xf8: {  	s21 =	simm.s32 $0x1C700;
	s20 =	sadd.s32 s3, s20;
	[tilespmem:s19+$0x50] =	vst v4  }
0xf9: {  	s22 =	simm.s32 $0x1C800;
	s23 =	sadd.s32 $0x0, s20;
	[tilespmem:s19+$0x60] =	vst v5;
	s19 =	simm.s32 $0x80  }
.LBB2_13:
0xfa: {  	[hbm4b:s23+s4] =	stream.linear.scatter [tilespmem:s21], [sflag:$0x2], $0x80, $0x38;
	[tilespmem:$0x1E700] =	vst v63  }
0xfb: {  	s23 =	smov.u32 s19;
	s21 =	smov.u32 s22;
	p0 =	sne.s32 s19, $0xF80  }
.Ltmp5:
0xfc: {  	s19 =	sadd.s32 $0x80, s19;
	(pc) =	sbr.rel @p0 .LBB2_13-.Ltmp5, $2  }
0xfd: {  	_ =	sdelay $0x2  }
0xfe: {  	s22 =	sadd.s32 $0x100, s22;
	s23 =	sadd.s32 s23, s20  }
0xff: {  	[hbm4b:s23+s4] =	stream.linear.scatter [tilespmem:s21], [sflag:$0x2], $0x80, $0x38;
	[tilespmem:$0x1E700] =	vst v63  }
0x100: {  	_ =	swait.ge [sflag:s15], $0x1000  }
0x101: {  	[sflag:s15] =	ssyncset.done $0x0  }
0x102: {  	s19 =	simm.s32 $0x30F0;
	[sflag:s15] =	ssyncadd.s32 $0xFFFFF000  }
0x103: {  	v0 =	vld [tilespmem:s19+$0x0]  }
0x104: {  	v1 =	vld [tilespmem:s19+$0xFFFFFF20]  }
0x105: {  	v2 =	vld [tilespmem:s19+$0xFFFFFF30]  }
0x106: {  	v3 =	vld [tilespmem:s19+$0xFFFFFF40]  }
0x107: {  	v4 =	vld [tilespmem:s19+$0xFFFFFF50]  }
0x108: {  	v5 =	vld [tilespmem:s19+$0xFFFFFF60]  }
0x109: {  	v6 =	vld [tilespmem:s19+$0xFFFFFF70]  }
0x10a: {  	v7 =	vld [tilespmem:s19+$0xFFFFFF80]  }
0x10b: {  	v8 =	vld [tilespmem:s19+$0xFFFFFF90]  }
0x10c: {  	v9 =	vld [tilespmem:s19+$0xFFFFFFA0]  }
0x10d: {  	v10 =	vld [tilespmem:s19+$0xFFFFFFB0]  }
0x10e: {  	v11 =	vld [tilespmem:s19+$0xFFFFFFC0]  }
0x10f: {  	v12 =	vld [tilespmem:s19+$0xFFFFFFD0]  }
0x110: {  	v13 =	vld [tilespmem:s19+$0xFFFFFFE0]  }
0x111: {  	v14 =	vld [tilespmem:s19+$0xFFFFFFF0]  }
0x112: {  	v15 =	vld [tilespmem:s19+$0xFFFFFF10]  }
0x113: {  	v0 =	vld.idx.msk [tilespmem:v0+s12+$0x0], $0xffff  }
0x114: {  	v1 =	vld.idx.msk [tilespmem:v1+s12+$0x0], $0xffff  }
0x115: {  	v2 =	vld.idx.msk [tilespmem:v2+s12+$0x0], $0xffff  }
0x116: {  	v3 =	vld.idx.msk [tilespmem:v3+s12+$0x0], $0xffff  }
0x117: {  	v4 =	vld.idx.msk [tilespmem:v4+s12+$0x0], $0xffff  }
0x118: {  	s19 =	simm.s32 $0x1C880;
	v5 =	vld.idx.msk [tilespmem:v5+s12+$0x0], $0xffff  }
0x119: {  	v6 =	vld.idx.msk [tilespmem:v6+s12+$0x0], $0xffff;
	[tilespmem:s19+$0x70] =	vst v0  }
0x11a: {  	v7 =	vld.idx.msk [tilespmem:v7+s12+$0x0], $0xffff;
	[tilespmem:s19+$0xFFFFFF10] =	vst v1  }
0x11b: {  	v15 =	vld.idx.msk [tilespmem:v15+s12+$0x0], $0xffff;
	[tilespmem:s19+$0xFFFFFF20] =	vst v2  }
0x11c: {  	v8 =	vld.idx.msk [tilespmem:v8+s12+$0x0], $0xffff;
	[tilespmem:s19+$0xFFFFFF30] =	vst v3  }
0x11d: {  	[tilespmem:s19+$0xFFFFFF40] =	vst v4;
	v0 =	vld.idx.msk [tilespmem:v9+s12+$0x0], $0xffff  }
0x11e: {  	[tilespmem:s19+$0xFFFFFF50] =	vst v5;
	v1 =	vld.idx.msk [tilespmem:v10+s12+$0x0], $0xffff  }
0x11f: {  	[tilespmem:s19+$0xFFFFFF60] =	vst v6;
	v2 =	vld.idx.msk [tilespmem:v11+s12+$0x0], $0xffff  }
0x120: {  	[tilespmem:s19+$0xFFFFFF70] =	vst v7;
	v3 =	vld.idx.msk [tilespmem:v12+s12+$0x0], $0xffff  }
0x121: {  	[tilespmem:s19+$0xFFFFFF00] =	vst v15;
	v4 =	vld.idx.msk [tilespmem:v13+s12+$0x0], $0xffff  }
0x122: {  	s20 =	simm.s32 $0x0;
	s21 =	simm.s32 $0x31F0;
	[tilespmem:s19+$0x0] =	vst v8;
	v5 =	vld.idx.msk [tilespmem:v14+s12+$0x0], $0xffff  }
.LBB2_15:
0x123: {  	v6 =	vld [tilespmem:s21+$0x0];
	s20 =	sadd.s32 $0x10, s20;
	[tilespmem:s19+$0x10] =	vst v0  }
0x124: {  	v0 =	vld [tilespmem:s21+$0xFFFFFF20];
	p0 =	slt.u32 s20, $0xF0;
	[tilespmem:s19+$0x20] =	vst v1  }
0x125: {  	v1 =	vld [tilespmem:s21+$0xFFFFFF30];
	[tilespmem:s19+$0x30] =	vst v2  }
0x126: {  	v2 =	vld [tilespmem:s21+$0xFFFFFF40];
	[tilespmem:s19+$0x40] =	vst v3  }
0x127: {  	v3 =	vld [tilespmem:s21+$0xFFFFFF50];
	[tilespmem:s19+$0x50] =	vst v4  }
0x128: {  	v4 =	vld [tilespmem:s21+$0xFFFFFF60];
	[tilespmem:s19+$0x60] =	vst v5  }
0x129: {  	v5 =	vld [tilespmem:s21+$0xFFFFFF70]  }
0x12a: {  	v7 =	vld [tilespmem:s21+$0xFFFFFF80]  }
0x12b: {  	v6 =	vld.idx.msk [tilespmem:v6+s12+$0x0], $0xffff  }
0x12c: {  	v8 =	vld [tilespmem:s21+$0xFFFFFF90]  }
0x12d: {  	v9 =	vld [tilespmem:s21+$0xFFFFFFA0]  }
0x12e: {  	v10 =	vld [tilespmem:s21+$0xFFFFFFB0]  }
0x12f: {  	v11 =	vld [tilespmem:s21+$0xFFFFFFC0]  }
0x130: {  	s19 =	sadd.s32 $0x200, s19;
	v12 =	vld [tilespmem:s21+$0xFFFFFFD0]  }
0x131: {  	v13 =	vld [tilespmem:s21+$0xFFFFFFE0];
	[tilespmem:s19+$0x70] =	vst v6  }
0x132: {  	v6 =	vld [tilespmem:s21+$0xFFFFFFF0]  }
0x133: {  	v14 =	vld [tilespmem:s21+$0xFFFFFF10]  }
0x134: {  	v0 =	vld.idx.msk [tilespmem:v0+s12+$0x0], $0xffff  }
0x135: {  	v1 =	vld.idx.msk [tilespmem:v1+s12+$0x0], $0xffff  }
0x136: {  	v2 =	vld.idx.msk [tilespmem:v2+s12+$0x0], $0xffff  }
0x137: {  	v3 =	vld.idx.msk [tilespmem:v3+s12+$0x0], $0xffff  }
0x138: {  	v4 =	vld.idx.msk [tilespmem:v4+s12+$0x0], $0xffff  }
0x139: {  	v5 =	vld.idx.msk [tilespmem:v5+s12+$0x0], $0xffff  }
0x13a: {  	[tilespmem:s19+$0xFFFFFF10] =	vst v0;
	v7 =	vld.idx.msk [tilespmem:v7+s12+$0x0], $0xffff  }
0x13b: {  	v14 =	vld.idx.msk [tilespmem:v14+s12+$0x0], $0xffff;
	[tilespmem:s19+$0xFFFFFF20] =	vst v1  }
0x13c: {  	[tilespmem:s19+$0xFFFFFF30] =	vst v2;
	v8 =	vld.idx.msk [tilespmem:v8+s12+$0x0], $0xffff  }
0x13d: {  	[tilespmem:s19+$0xFFFFFF40] =	vst v3;
	v0 =	vld.idx.msk [tilespmem:v9+s12+$0x0], $0xffff  }
.Ltmp6:
0x13e: {  	[tilespmem:s19+$0xFFFFFF50] =	vst v4;
	v1 =	vld.idx.msk [tilespmem:v10+s12+$0x0], $0xffff;
	(pc) =	sbr.rel @p0 .LBB2_15-.Ltmp6, $4  }
0x13f: {  	[tilespmem:s19+$0xFFFFFF60] =	vst v5;
	v2 =	vld.idx.msk [tilespmem:v11+s12+$0x0], $0xffff  }
0x140: {  	[tilespmem:s19+$0xFFFFFF70] =	vst v7;
	v3 =	vld.idx.msk [tilespmem:v12+s12+$0x0], $0xffff  }
0x141: {  	[tilespmem:s19+$0xFFFFFF00] =	vst v14;
	v4 =	vld.idx.msk [tilespmem:v13+s12+$0x0], $0xffff  }
0x142: {  	s21 =	sadd.s32 $0x100, s21;
	[tilespmem:s19+$0x0] =	vst v8;
	v5 =	vld.idx.msk [tilespmem:v6+s12+$0x0], $0xffff  }
0x143: {  	[tilespmem:s19+$0x10] =	vst v0  }
0x144: {  	[tilespmem:s19+$0x20] =	vst v1  }
0x145: {  	[tilespmem:s19+$0x30] =	vst v2  }
0x146: {  	s18 =	sor.u32 $0x3000, s18;
	[tilespmem:s19+$0x40] =	vst v3  }
0x147: {  	s20 =	simm.s32 $0x1C780;
	s18 =	sadd.s32 s3, s18;
	[tilespmem:s19+$0x50] =	vst v4  }
0x148: {  	s21 =	simm.s32 $0x1C880;
	s22 =	sadd.s32 $0x0, s18;
	[tilespmem:s19+$0x60] =	vst v5;
	s19 =	simm.s32 $0x80  }
.LBB2_17:
0x149: {  	[hbm4b:s22+s4] =	stream.linear.scatter [tilespmem:s20], [sflag:$0x2], $0x80, $0x38;
	[tilespmem:$0x1E700] =	vst v63  }
0x14a: {  	s22 =	smov.u32 s19;
	s20 =	smov.u32 s21;
	p0 =	sne.s32 s19, $0xF80  }
.Ltmp7:
0x14b: {  	s19 =	sadd.s32 $0x80, s19;
	(pc) =	sbr.rel @p0 .LBB2_17-.Ltmp7, $2  }
0x14c: {  	_ =	sdelay $0x2  }
0x14d: {  	s21 =	sadd.s32 $0x100, s21;
	s22 =	sadd.s32 s22, s18  }
0x14e: {  	[hbm4b:s22+s4] =	stream.linear.scatter [tilespmem:s20], [sflag:$0x2], $0x80, $0x38;
	[tilespmem:$0x1E700] =	vst v63  }
0x14f: {  	p0 =	seq.s32 s17, $0x7  }
0x150: {  	s18 =	sadd.s32 @!p0 s17, s8  }
0x151: {  	s19 =	sshrl.u32 @!p0 s18, $0x3  }
0x152: {  	s18 =	sshll.u32 @!p0 s18, $0x7;
	s19 =	smul.u32 @!p0 $0xC3800, s19  }
0x153: {  	s18 =	sand.u32 @!p0 $0x380, s18  }
0x154: {  	s18 =	sor.u32 @!p0 s18, s19  }
0x155: {  	s20 =	simm.s32 @!p0 $0x400;
	s21 =	simm.s32 @!p0 $0x4000;
	s18 =	sshrl.u32 @!p0 s18, $0x3  }
0x156: {  	s17 =	sadd.s32 $0x1, s17;
	s19 =	simm.s32 @!p0 $0x80;
	s18 =	sadd.s32 @!p0 s1, s18  }
0x157: {  	[tilespmem:s21], [sflag:$0x1] =	stream.strided.gather @!p0 [hbm4b:s18+s19], $0x18700, s20, s19, $0x38;
	[tilespmem:$0x1E700] =	vst v63  }
0x158: {  	p0 =	sne.s32 s17, $0x8;
	_ =	swait.ge [sflag:s15], $0x1000  }
.Ltmp8:
0x159: {  	[sflag:s15] =	ssyncset.done $0x0;
	(pc) =	sbr.rel @p0 .LBB2_2-.Ltmp8, $4  }
0x15a: {  	[sflag:s15] =	ssyncadd.s32 $0xFFFFF000  }
0x15b: {  	_ =	swait.ge [sflag:s15], $0x1000  }
0x15c: {  	[sflag:s15] =	ssyncset.done $0x0  }
0x15d: {  	[sflag:s15] =	ssyncadd.s32 $0xFFFFF000  }
0x15e: {  	s16 =	sadd.s32 $0x1, s16  }
0x15f: {  	p0 =	sne.s32 s16, s9  }
.Ltmp9:
0x160: {  	_ = 	snop;
	(pc) =	sbr.rel @p0 .LBB2_1-.Ltmp9, $1  }
0x161: {  	_ =	sdelay $0x3  }
0x162: {  	_ =	sfence.sel $0x180000  }
0x163: {  	[bflag:$0x0] =	sbarrier.arrive $0xFFFF  }
0x164: {  	p0 =	sne.s32 s0, $0x0;
	_ =	strace $0x90000047  }
0x165: {  	s0 =	sadd.s32 @!p0 $0x100000, s2;
	[bflag:$0x2] =	sbarrier.arrive $0xFFFF  }
0x166: {  	[sflag:s0] =	ssyncadd.tile.s32 @!p0 $0x1;
	_ =	shalt  }
.Lfunc_end2:
_tile_overlayer_lowered:
.L_overlay_start_2:
0x167: {  	(tag) =	ssettag $0x2  }
0x168: {  	s0 =	rddreg [dreg:$0x0];
	s2 =	stileid.u32  }
0x169: {  	s1 =	rddreg [dreg:$0x1];
	p0 =	sne.s32 s2, $0x0  }
0x16a: {  	s3 =	rddreg [dreg:$0x2];
	[bflag:$0x3] =	sbarrier.arrive $0xFFFF;
	s2 =	simm.s32 @!p0 $0x1C03  }
0x16b: {  	[timem:s3], [sflag:s2] =	dma.local @!p0 [hbm:s0], s1  }
0x16c: {  	s0 =	simm.s32 @!p0 $0x3  }
0x16d: {  	_ =	swait.ge @!p0 [sflag:s0], s1  }
0x16e: {  	s1 =	ssub.s32 @!p0 $0x0, s1;
	[sflag:s0] =	ssyncset.done @!p0 $0x0  }
0x16f: {  	[sflag:s0] =	ssyncadd.s32 @!p0 s1  }
0x170: {  	[bflag:$0x3] =	sbarrier.arrive $0xFFFF  }
0x171: {  	_ =	shalt  }

</sc_bundles>
